<compile_context>
chip_gen: v7x
topology: tpu7x:2x2x1
jax: 0.10.2.dev20260603
libtpu: 0.0.44.dev20260713+nightly
codegen_flags: <defaults>
</compile_context>

<pallas_src>
import functools
import jax
import jax.numpy as jnp
import numpy as np
from jax import lax
from jax.experimental import pallas as pl
from jax.experimental.pallas import tpu as pltpu
from jax.experimental.pallas import tpu_sc as plsc

NUM_CLASSES_K = 1000
BATCH_K = 16384
NC = 2
NS = 16
NW = NC * NS
RPW = BATCH_K // NW
RC = 32
NCH = RPW // RC


@functools.partial(
    pl.kernel,
    mesh=plsc.VectorSubcoreMesh(core_axis_name="c", subcore_axis_name="s"),
    out_type=jax.ShapeDtypeStruct((NW * 16,), jnp.float32),
    scratch_types=[
        pltpu.VMEM((2, RC, NUM_CLASSES_K), jnp.float32),
        pltpu.SemaphoreType.DMA,
        pltpu.SemaphoreType.DMA,
    ],
)
def _sc_stream(x_hbm, out_hbm, buf, sem0, sem1):
    wid = lax.axis_index("s") * NC + lax.axis_index("c")
    base = wid * RPW
    sems = [sem0, sem1]

    def copy(g):
        return pltpu.make_async_copy(
            x_hbm.at[pl.ds(base + g * RC, RC), :], buf.at[g % 2], sems[g % 2]
        )

    copy(0).start()
    copy(1).start()
    for g in range(NCH):
        copy(g).wait()
        if g + 2 < NCH:
            copy(g + 2).start()
    pltpu.sync_copy(buf.at[0, 0, pl.ds(0, 16)], out_hbm.at[pl.ds(wid * 16, 16)])


@jax.jit
def kernel(inputs, targets):
    tok = _sc_stream(inputs)
    return tok[0]

# --- scband reference (transcript-rebuilt; emitter-appended) ---
"""Pipeline reference for scband-cross-entropy-label-smooth-hard-mining-46858093199850 (READ-ONLY COPY).

The authoritative reference and input builder live on the scoring server;
editing this copy changes nothing except your own understanding.
"""

import jax, jax.numpy as jnp
import numpy as np

NUM_CLASSES = 1000
EPSILON = 0.1
RATIO = 0.6
BATCH = 16384


def setup_inputs(seed: int = 0) -> dict:
    key = jax.random.key(seed)
    k1, k2 = jax.random.split(key)
    inputs = jax.random.normal(k1, (BATCH, NUM_CLASSES), dtype=jnp.float32)
    targets = jax.random.randint(k2, (BATCH,), 0, NUM_CLASSES, dtype=jnp.int64 if jax.config.jax_enable_x64 else jnp.int32)
    return {"inputs": inputs, "targets": targets}


def reference(inputs, targets):
    # log softmax over class dim
    log_probs = jax.nn.log_softmax(inputs, axis=1)
    # one-hot scatter of targets: zeros[B, C].at[i, targets[i]].set(1)
    onehot = jnp.zeros(log_probs.shape, dtype=log_probs.dtype).at[
        jnp.arange(inputs.shape[0]), targets
    ].set(1.0)
    smoothed = (1.0 - EPSILON) * onehot + EPSILON / NUM_CLASSES
    per_sample = (-smoothed * log_probs).mean(axis=1)
    selected_number = int(inputs.shape[0] * RATIO)
    # torch.sort(descending=True)[0][:k] == top_k values (sorted descending)
    top_vals, _ = jax.lax.top_k(per_sample, selected_number)
    loss = top_vals.mean()
    return loss

if __name__ == "__main__":
    import jax
    _d = setup_inputs()
    print(jax.jit(kernel)(*tuple(_d.values())))

</pallas_src>

<mosaic_0001>
#map = affine_map<(d0, d1) -> (0, 0)>
#map1 = affine_map<(d0, d1) -> (0)>
module attributes {stable_mosaic.version = 14 : i64} {
  func.func @_sc_stream(%arg0: i32, %arg1: i32, %arg2: memref<16384x1000xf32, #tpu.memory_space<hbm>>, %arg3: memref<512xf32, #tpu.memory_space<hbm>>, %arg4: memref<2x32x1000xf32, #tpu.memory_space<vmem>>, %arg5: memref<!tpu.dma_semaphore, #tpu.memory_space<semaphore_mem>>, %arg6: memref<!tpu.dma_semaphore, #tpu.memory_space<semaphore_mem>>) attributes {dimension_semantics = [#tpu.dimension_semantics<core_parallel>, #tpu.dimension_semantics<subcore_parallel>], iteration_bounds = array<i64: 2, 16>, scalar_prefetch = 0 : i64, scratch_operands = 3 : i64, tpu.core_type = #tpu.core_type<sc_vector_subcore>, window_params = [{transform_indices = #map}, {transform_indices = #map1}]} {
    %mul3A = arith.constant 2 : i32
    %mul3A_0 = arith.muli %arg1, %mul3A : i32
    %add3A = arith.addi %mul3A_0, %arg0 : i32
    %mul3A_1 = arith.constant 512 : i32
    %mul3A_2 = arith.muli %add3A, %mul3A_1 : i32
    %add3A_3 = arith.constant 0 : i32
    %add3A_4 = arith.addi %mul3A_2, %add3A_3 : i32
    %dma_start3A = arith.constant 0 : i32
    %dma_start3A_5 = arith.constant 0 : i32
    %dma_start3A_6 = arith.constant 0 : i32
    %dma_start3A_7 = tpu.memref_slice %arg4[%dma_start3A, %dma_start3A_5, %dma_start3A_6] : memref<2x32x1000xf32, #tpu.memory_space<vmem>> -> memref<1x32x1000xf32, #tpu.memory_space<vmem>>
    %dma_start3A_8 = tpu.memref_squeeze %dma_start3A_7 : memref<1x32x1000xf32, #tpu.memory_space<vmem>> -> memref<32x1000xf32, #tpu.memory_space<vmem>>
    %dma_start3A_9 = arith.constant 0 : i32
    %dma_start3A_10 = tpu.memref_slice %arg2[%add3A_4, %dma_start3A_9] : memref<16384x1000xf32, #tpu.memory_space<hbm>> -> memref<32x1000xf32, #tpu.memory_space<hbm>>
    %dma_start3A_11 = arith.constant 0 : i32
    %dma_start3A_12 = arith.constant 0 : i32
    %dma_start3A_13 = tpu.memref_slice %arg4[%dma_start3A, %dma_start3A_11, %dma_start3A_12] : memref<2x32x1000xf32, #tpu.memory_space<vmem>> -> memref<1x32x1000xf32, #tpu.memory_space<vmem>>
    %dma_start3A_14 = tpu.memref_squeeze %dma_start3A_13 : memref<1x32x1000xf32, #tpu.memory_space<vmem>> -> memref<32x1000xf32, #tpu.memory_space<vmem>>
    %dma_start3A_15 = arith.constant 0 : i32
    %dma_start3A_16 = tpu.memref_slice %arg2[%add3A_4, %dma_start3A_15] : memref<16384x1000xf32, #tpu.memory_space<hbm>> -> memref<32x1000xf32, #tpu.memory_space<hbm>>
    tpu.enqueue_dma source(%dma_start3A_16 : memref<32x1000xf32, #tpu.memory_space<hbm>>) target(%dma_start3A_14 : memref<32x1000xf32, #tpu.memory_space<vmem>>) target_semaphore(%arg5 : memref<!tpu.dma_semaphore, #tpu.memory_space<semaphore_mem>>)
    %add3A_17 = arith.constant 32 : i32
    %add3A_18 = arith.addi %mul3A_2, %add3A_17 : i32
    %dma_start3A_19 = arith.constant 1 : i32
    %dma_start3A_20 = arith.constant 0 : i32
    %dma_start3A_21 = arith.constant 0 : i32
    %dma_start3A_22 = tpu.memref_slice %arg4[%dma_start3A_19, %dma_start3A_20, %dma_start3A_21] : memref<2x32x1000xf32, #tpu.memory_space<vmem>> -> memref<1x32x1000xf32, #tpu.memory_space<vmem>>
    %dma_start3A_23 = tpu.memref_squeeze %dma_start3A_22 : memref<1x32x1000xf32, #tpu.memory_space<vmem>> -> memref<32x1000xf32, #tpu.memory_space<vmem>>
    %dma_start3A_24 = arith.constant 0 : i32
    %dma_start3A_25 = tpu.memref_slice %arg2[%add3A_18, %dma_start3A_24] : memref<16384x1000xf32, #tpu.memory_space<hbm>> -> memref<32x1000xf32, #tpu.memory_space<hbm>>
    %dma_start3A_26 = arith.constant 0 : i32
    %dma_start3A_27 = arith.constant 0 : i32
    %dma_start3A_28 = tpu.memref_slice %arg4[%dma_start3A_19, %dma_start3A_26, %dma_start3A_27] : memref<2x32x1000xf32, #tpu.memory_space<vmem>> -> memref<1x32x1000xf32, #tpu.memory_space<vmem>>
    %dma_start3A_29 = tpu.memref_squeeze %dma_start3A_28 : memref<1x32x1000xf32, #tpu.memory_space<vmem>> -> memref<32x1000xf32, #tpu.memory_space<vmem>>
    %dma_start3A_30 = arith.constant 0 : i32
    %dma_start3A_31 = tpu.memref_slice %arg2[%add3A_18, %dma_start3A_30] : memref<16384x1000xf32, #tpu.memory_space<hbm>> -> memref<32x1000xf32, #tpu.memory_space<hbm>>
    tpu.enqueue_dma source(%dma_start3A_31 : memref<32x1000xf32, #tpu.memory_space<hbm>>) target(%dma_start3A_29 : memref<32x1000xf32, #tpu.memory_space<vmem>>) target_semaphore(%arg6 : memref<!tpu.dma_semaphore, #tpu.memory_space<semaphore_mem>>)
    %add3A_32 = arith.constant 0 : i32
    %add3A_33 = arith.addi %mul3A_2, %add3A_32 : i32
    %dma_wait3A = arith.constant 0 : i32
    %dma_wait3A_34 = arith.constant 0 : i32
    %dma_wait3A_35 = arith.constant 0 : i32
    %dma_wait3A_36 = tpu.memref_slice %arg4[%dma_wait3A, %dma_wait3A_34, %dma_wait3A_35] : memref<2x32x1000xf32, #tpu.memory_space<vmem>> -> memref<1x32x1000xf32, #tpu.memory_space<vmem>>
    %dma_wait3A_37 = tpu.memref_squeeze %dma_wait3A_36 : memref<1x32x1000xf32, #tpu.memory_space<vmem>> -> memref<32x1000xf32, #tpu.memory_space<vmem>>
    %dma_wait3A_38 = arith.constant 0 : i32
    %dma_wait3A_39 = tpu.memref_slice %arg2[%add3A_33, %dma_wait3A_38] : memref<16384x1000xf32, #tpu.memory_space<hbm>> -> memref<32x1000xf32, #tpu.memory_space<hbm>>
    %dma_wait3A_40 = arith.constant 0 : i32
    %dma_wait3A_41 = arith.constant 0 : i32
    %dma_wait3A_42 = tpu.memref_slice %arg4[%dma_wait3A, %dma_wait3A_40, %dma_wait3A_41] : memref<2x32x1000xf32, #tpu.memory_space<vmem>> -> memref<1x32x1000xf32, #tpu.memory_space<vmem>>
    %dma_wait3A_43 = tpu.memref_squeeze %dma_wait3A_42 : memref<1x32x1000xf32, #tpu.memory_space<vmem>> -> memref<32x1000xf32, #tpu.memory_space<vmem>>
    %dma_wait3A_44 = arith.constant 0 : i32
    %dma_wait3A_45 = tpu.memref_slice %arg2[%add3A_33, %dma_wait3A_44] : memref<16384x1000xf32, #tpu.memory_space<hbm>> -> memref<32x1000xf32, #tpu.memory_space<hbm>>
    tpu.wait_dma2 semaphore(%arg5 : memref<!tpu.dma_semaphore, #tpu.memory_space<semaphore_mem>>) src(%dma_wait3A_45 : memref<32x1000xf32, #tpu.memory_space<hbm>>) dst(%dma_wait3A_43 : memref<32x1000xf32, #tpu.memory_space<vmem>>)
    %add3A_46 = arith.constant 64 : i32
    %add3A_47 = arith.addi %mul3A_2, %add3A_46 : i32
    %dma_start3A_48 = arith.constant 0 : i32
    %dma_start3A_49 = arith.constant 0 : i32
    %dma_start3A_50 = arith.constant 0 : i32
    %dma_start3A_51 = tpu.memref_slice %arg4[%dma_start3A_48, %dma_start3A_49, %dma_start3A_50] : memref<2x32x1000xf32, #tpu.memory_space<vmem>> -> memref<1x32x1000xf32, #tpu.memory_space<vmem>>
    %dma_start3A_52 = tpu.memref_squeeze %dma_start3A_51 : memref<1x32x1000xf32, #tpu.memory_space<vmem>> -> memref<32x1000xf32, #tpu.memory_space<vmem>>
    %dma_start3A_53 = arith.constant 0 : i32
    %dma_start3A_54 = tpu.memref_slice %arg2[%add3A_47, %dma_start3A_53] : memref<16384x1000xf32, #tpu.memory_space<hbm>> -> memref<32x1000xf32, #tpu.memory_space<hbm>>
    %dma_start3A_55 = arith.constant 0 : i32
    %dma_start3A_56 = arith.constant 0 : i32
    %dma_start3A_57 = tpu.memref_slice %arg4[%dma_start3A_48, %dma_start3A_55, %dma_start3A_56] : memref<2x32x1000xf32, #tpu.memory_space<vmem>> -> memref<1x32x1000xf32, #tpu.memory_space<vmem>>
    %dma_start3A_58 = tpu.memref_squeeze %dma_start3A_57 : memref<1x32x1000xf32, #tpu.memory_space<vmem>> -> memref<32x1000xf32, #tpu.memory_space<vmem>>
    %dma_start3A_59 = arith.constant 0 : i32
    %dma_start3A_60 = tpu.memref_slice %arg2[%add3A_47, %dma_start3A_59] : memref<16384x1000xf32, #tpu.memory_space<hbm>> -> memref<32x1000xf32, #tpu.memory_space<hbm>>
    tpu.enqueue_dma source(%dma_start3A_60 : memref<32x1000xf32, #tpu.memory_space<hbm>>) target(%dma_start3A_58 : memref<32x1000xf32, #tpu.memory_space<vmem>>) target_semaphore(%arg5 : memref<!tpu.dma_semaphore, #tpu.memory_space<semaphore_mem>>)
    %add3A_61 = arith.constant 32 : i32
    %add3A_62 = arith.addi %mul3A_2, %add3A_61 : i32
    %dma_wait3A_63 = arith.constant 1 : i32
    %dma_wait3A_64 = arith.constant 0 : i32
    %dma_wait3A_65 = arith.constant 0 : i32
    %dma_wait3A_66 = tpu.memref_slice %arg4[%dma_wait3A_63, %dma_wait3A_64, %dma_wait3A_65] : memref<2x32x1000xf32, #tpu.memory_space<vmem>> -> memref<1x32x1000xf32, #tpu.memory_space<vmem>>
    %dma_wait3A_67 = tpu.memref_squeeze %dma_wait3A_66 : memref<1x32x1000xf32, #tpu.memory_space<vmem>> -> memref<32x1000xf32, #tpu.memory_space<vmem>>
    %dma_wait3A_68 = arith.constant 0 : i32
    %dma_wait3A_69 = tpu.memref_slice %arg2[%add3A_62, %dma_wait3A_68] : memref<16384x1000xf32, #tpu.memory_space<hbm>> -> memref<32x1000xf32, #tpu.memory_space<hbm>>
    %dma_wait3A_70 = arith.constant 0 : i32
    %dma_wait3A_71 = arith.constant 0 : i32
    %dma_wait3A_72 = tpu.memref_slice %arg4[%dma_wait3A_63, %dma_wait3A_70, %dma_wait3A_71] : memref<2x32x1000xf32, #tpu.memory_space<vmem>> -> memref<1x32x1000xf32, #tpu.memory_space<vmem>>
    %dma_wait3A_73 = tpu.memref_squeeze %dma_wait3A_72 : memref<1x32x1000xf32, #tpu.memory_space<vmem>> -> memref<32x1000xf32, #tpu.memory_space<vmem>>
    %dma_wait3A_74 = arith.constant 0 : i32
    %dma_wait3A_75 = tpu.memref_slice %arg2[%add3A_62, %dma_wait3A_74] : memref<16384x1000xf32, #tpu.memory_space<hbm>> -> memref<32x1000xf32, #tpu.memory_space<hbm>>
    tpu.wait_dma2 semaphore(%arg6 : memref<!tpu.dma_semaphore, #tpu.memory_space<semaphore_mem>>) src(%dma_wait3A_75 : memref<32x1000xf32, #tpu.memory_space<hbm>>) dst(%dma_wait3A_73 : memref<32x1000xf32, #tpu.memory_space<vmem>>)
    %add3A_76 = arith.constant 96 : i32
    %add3A_77 = arith.addi %mul3A_2, %add3A_76 : i32
    %dma_start3A_78 = arith.constant 1 : i32
    %dma_start3A_79 = arith.constant 0 : i32
    %dma_start3A_80 = arith.constant 0 : i32
    %dma_start3A_81 = tpu.memref_slice %arg4[%dma_start3A_78, %dma_start3A_79, %dma_start3A_80] : memref<2x32x1000xf32, #tpu.memory_space<vmem>> -> memref<1x32x1000xf32, #tpu.memory_space<vmem>>
    %dma_start3A_82 = tpu.memref_squeeze %dma_start3A_81 : memref<1x32x1000xf32, #tpu.memory_space<vmem>> -> memref<32x1000xf32, #tpu.memory_space<vmem>>
    %dma_start3A_83 = arith.constant 0 : i32
    %dma_start3A_84 = tpu.memref_slice %arg2[%add3A_77, %dma_start3A_83] : memref<16384x1000xf32, #tpu.memory_space<hbm>> -> memref<32x1000xf32, #tpu.memory_space<hbm>>
    %dma_start3A_85 = arith.constant 0 : i32
    %dma_start3A_86 = arith.constant 0 : i32
    %dma_start3A_87 = tpu.memref_slice %arg4[%dma_start3A_78, %dma_start3A_85, %dma_start3A_86] : memref<2x32x1000xf32, #tpu.memory_space<vmem>> -> memref<1x32x1000xf32, #tpu.memory_space<vmem>>
    %dma_start3A_88 = tpu.memref_squeeze %dma_start3A_87 : memref<1x32x1000xf32, #tpu.memory_space<vmem>> -> memref<32x1000xf32, #tpu.memory_space<vmem>>
    %dma_start3A_89 = arith.constant 0 : i32
    %dma_start3A_90 = tpu.memref_slice %arg2[%add3A_77, %dma_start3A_89] : memref<16384x1000xf32, #tpu.memory_space<hbm>> -> memref<32x1000xf32, #tpu.memory_space<hbm>>
    tpu.enqueue_dma source(%dma_start3A_90 : memref<32x1000xf32, #tpu.memory_space<hbm>>) target(%dma_start3A_88 : memref<32x1000xf32, #tpu.memory_space<vmem>>) target_semaphore(%arg6 : memref<!tpu.dma_semaphore, #tpu.memory_space<semaphore_mem>>)
    %add3A_91 = arith.constant 64 : i32
    %add3A_92 = arith.addi %mul3A_2, %add3A_91 : i32
    %dma_wait3A_93 = arith.constant 0 : i32
    %dma_wait3A_94 = arith.constant 0 : i32
    %dma_wait3A_95 = arith.constant 0 : i32
    %dma_wait3A_96 = tpu.memref_slice %arg4[%dma_wait3A_93, %dma_wait3A_94, %dma_wait3A_95] : memref<2x32x1000xf32, #tpu.memory_space<vmem>> -> memref<1x32x1000xf32, #tpu.memory_space<vmem>>
    %dma_wait3A_97 = tpu.memref_squeeze %dma_wait3A_96 : memref<1x32x1000xf32, #tpu.memory_space<vmem>> -> memref<32x1000xf32, #tpu.memory_space<vmem>>
    %dma_wait3A_98 = arith.constant 0 : i32
    %dma_wait3A_99 = tpu.memref_slice %arg2[%add3A_92, %dma_wait3A_98] : memref<16384x1000xf32, #tpu.memory_space<hbm>> -> memref<32x1000xf32, #tpu.memory_space<hbm>>
    %dma_wait3A_100 = arith.constant 0 : i32
    %dma_wait3A_101 = arith.constant 0 : i32
    %dma_wait3A_102 = tpu.memref_slice %arg4[%dma_wait3A_93, %dma_wait3A_100, %dma_wait3A_101] : memref<2x32x1000xf32, #tpu.memory_space<vmem>> -> memref<1x32x1000xf32, #tpu.memory_space<vmem>>
    %dma_wait3A_103 = tpu.memref_squeeze %dma_wait3A_102 : memref<1x32x1000xf32, #tpu.memory_space<vmem>> -> memref<32x1000xf32, #tpu.memory_space<vmem>>
    %dma_wait3A_104 = arith.constant 0 : i32
    %dma_wait3A_105 = tpu.memref_slice %arg2[%add3A_92, %dma_wait3A_104] : memref<16384x1000xf32, #tpu.memory_space<hbm>> -> memref<32x1000xf32, #tpu.memory_space<hbm>>
    tpu.wait_dma2 semaphore(%arg5 : memref<!tpu.dma_semaphore, #tpu.memory_space<semaphore_mem>>) src(%dma_wait3A_105 : memref<32x1000xf32, #tpu.memory_space<hbm>>) dst(%dma_wait3A_103 : memref<32x1000xf32, #tpu.memory_space<vmem>>)
    %add3A_106 = arith.constant 128 : i32
    %add3A_107 = arith.addi %mul3A_2, %add3A_106 : i32
    %dma_start3A_108 = arith.constant 0 : i32
    %dma_start3A_109 = arith.constant 0 : i32
    %dma_start3A_110 = arith.constant 0 : i32
    %dma_start3A_111 = tpu.memref_slice %arg4[%dma_start3A_108, %dma_start3A_109, %dma_start3A_110] : memref<2x32x1000xf32, #tpu.memory_space<vmem>> -> memref<1x32x1000xf32, #tpu.memory_space<vmem>>
    %dma_start3A_112 = tpu.memref_squeeze %dma_start3A_111 : memref<1x32x1000xf32, #tpu.memory_space<vmem>> -> memref<32x1000xf32, #tpu.memory_space<vmem>>
    %dma_start3A_113 = arith.constant 0 : i32
    %dma_start3A_114 = tpu.memref_slice %arg2[%add3A_107, %dma_start3A_113] : memref<16384x1000xf32, #tpu.memory_space<hbm>> -> memref<32x1000xf32, #tpu.memory_space<hbm>>
    %dma_start3A_115 = arith.constant 0 : i32
    %dma_start3A_116 = arith.constant 0 : i32
    %dma_start3A_117 = tpu.memref_slice %arg4[%dma_start3A_108, %dma_start3A_115, %dma_start3A_116] : memref<2x32x1000xf32, #tpu.memory_space<vmem>> -> memref<1x32x1000xf32, #tpu.memory_space<vmem>>
    %dma_start3A_118 = tpu.memref_squeeze %dma_start3A_117 : memref<1x32x1000xf32, #tpu.memory_space<vmem>> -> memref<32x1000xf32, #tpu.memory_space<vmem>>
    %dma_start3A_119 = arith.constant 0 : i32
    %dma_start3A_120 = tpu.memref_slice %arg2[%add3A_107, %dma_start3A_119] : memref<16384x1000xf32, #tpu.memory_space<hbm>> -> memref<32x1000xf32, #tpu.memory_space<hbm>>
    tpu.enqueue_dma source(%dma_start3A_120 : memref<32x1000xf32, #tpu.memory_space<hbm>>) target(%dma_start3A_118 : memref<32x1000xf32, #tpu.memory_space<vmem>>) target_semaphore(%arg5 : memref<!tpu.dma_semaphore, #tpu.memory_space<semaphore_mem>>)
    %add3A_121 = arith.constant 96 : i32
    %add3A_122 = arith.addi %mul3A_2, %add3A_121 : i32
    %dma_wait3A_123 = arith.constant 1 : i32
    %dma_wait3A_124 = arith.constant 0 : i32
    %dma_wait3A_125 = arith.constant 0 : i32
    %dma_wait3A_126 = tpu.memref_slice %arg4[%dma_wait3A_123, %dma_wait3A_124, %dma_wait3A_125] : memref<2x32x1000xf32, #tpu.memory_space<vmem>> -> memref<1x32x1000xf32, #tpu.memory_space<vmem>>
    %dma_wait3A_127 = tpu.memref_squeeze %dma_wait3A_126 : memref<1x32x1000xf32, #tpu.memory_space<vmem>> -> memref<32x1000xf32, #tpu.memory_space<vmem>>
    %dma_wait3A_128 = arith.constant 0 : i32
    %dma_wait3A_129 = tpu.memref_slice %arg2[%add3A_122, %dma_wait3A_128] : memref<16384x1000xf32, #tpu.memory_space<hbm>> -> memref<32x1000xf32, #tpu.memory_space<hbm>>
    %dma_wait3A_130 = arith.constant 0 : i32
    %dma_wait3A_131 = arith.constant 0 : i32
    %dma_wait3A_132 = tpu.memref_slice %arg4[%dma_wait3A_123, %dma_wait3A_130, %dma_wait3A_131] : memref<2x32x1000xf32, #tpu.memory_space<vmem>> -> memref<1x32x1000xf32, #tpu.memory_space<vmem>>
    %dma_wait3A_133 = tpu.memref_squeeze %dma_wait3A_132 : memref<1x32x1000xf32, #tpu.memory_space<vmem>> -> memref<32x1000xf32, #tpu.memory_space<vmem>>
    %dma_wait3A_134 = arith.constant 0 : i32
    %dma_wait3A_135 = tpu.memref_slice %arg2[%add3A_122, %dma_wait3A_134] : memref<16384x1000xf32, #tpu.memory_space<hbm>> -> memref<32x1000xf32, #tpu.memory_space<hbm>>
    tpu.wait_dma2 semaphore(%arg6 : memref<!tpu.dma_semaphore, #tpu.memory_space<semaphore_mem>>) src(%dma_wait3A_135 : memref<32x1000xf32, #tpu.memory_space<hbm>>) dst(%dma_wait3A_133 : memref<32x1000xf32, #tpu.memory_space<vmem>>)
    %add3A_136 = arith.constant 160 : i32
    %add3A_137 = arith.addi %mul3A_2, %add3A_136 : i32
    %dma_start3A_138 = arith.constant 1 : i32
    %dma_start3A_139 = arith.constant 0 : i32
    %dma_start3A_140 = arith.constant 0 : i32
    %dma_start3A_141 = tpu.memref_slice %arg4[%dma_start3A_138, %dma_start3A_139, %dma_start3A_140] : memref<2x32x1000xf32, #tpu.memory_space<vmem>> -> memref<1x32x1000xf32, #tpu.memory_space<vmem>>
    %dma_start3A_142 = tpu.memref_squeeze %dma_start3A_141 : memref<1x32x1000xf32, #tpu.memory_space<vmem>> -> memref<32x1000xf32, #tpu.memory_space<vmem>>
    %dma_start3A_143 = arith.constant 0 : i32
    %dma_start3A_144 = tpu.memref_slice %arg2[%add3A_137, %dma_start3A_143] : memref<16384x1000xf32, #tpu.memory_space<hbm>> -> memref<32x1000xf32, #tpu.memory_space<hbm>>
    %dma_start3A_145 = arith.constant 0 : i32
    %dma_start3A_146 = arith.constant 0 : i32
    %dma_start3A_147 = tpu.memref_slice %arg4[%dma_start3A_138, %dma_start3A_145, %dma_start3A_146] : memref<2x32x1000xf32, #tpu.memory_space<vmem>> -> memref<1x32x1000xf32, #tpu.memory_space<vmem>>
    %dma_start3A_148 = tpu.memref_squeeze %dma_start3A_147 : memref<1x32x1000xf32, #tpu.memory_space<vmem>> -> memref<32x1000xf32, #tpu.memory_space<vmem>>
    %dma_start3A_149 = arith.constant 0 : i32
    %dma_start3A_150 = tpu.memref_slice %arg2[%add3A_137, %dma_start3A_149] : memref<16384x1000xf32, #tpu.memory_space<hbm>> -> memref<32x1000xf32, #tpu.memory_space<hbm>>
    tpu.enqueue_dma source(%dma_start3A_150 : memref<32x1000xf32, #tpu.memory_space<hbm>>) target(%dma_start3A_148 : memref<32x1000xf32, #tpu.memory_space<vmem>>) target_semaphore(%arg6 : memref<!tpu.dma_semaphore, #tpu.memory_space<semaphore_mem>>)
    %add3A_151 = arith.constant 128 : i32
    %add3A_152 = arith.addi %mul3A_2, %add3A_151 : i32
    %dma_wait3A_153 = arith.constant 0 : i32
    %dma_wait3A_154 = arith.constant 0 : i32
    %dma_wait3A_155 = arith.constant 0 : i32
    %dma_wait3A_156 = tpu.memref_slice %arg4[%dma_wait3A_153, %dma_wait3A_154, %dma_wait3A_155] : memref<2x32x1000xf32, #tpu.memory_space<vmem>> -> memref<1x32x1000xf32, #tpu.memory_space<vmem>>
    %dma_wait3A_157 = tpu.memref_squeeze %dma_wait3A_156 : memref<1x32x1000xf32, #tpu.memory_space<vmem>> -> memref<32x1000xf32, #tpu.memory_space<vmem>>
    %dma_wait3A_158 = arith.constant 0 : i32
    %dma_wait3A_159 = tpu.memref_slice %arg2[%add3A_152, %dma_wait3A_158] : memref<16384x1000xf32, #tpu.memory_space<hbm>> -> memref<32x1000xf32, #tpu.memory_space<hbm>>
    %dma_wait3A_160 = arith.constant 0 : i32
    %dma_wait3A_161 = arith.constant 0 : i32
    %dma_wait3A_162 = tpu.memref_slice %arg4[%dma_wait3A_153, %dma_wait3A_160, %dma_wait3A_161] : memref<2x32x1000xf32, #tpu.memory_space<vmem>> -> memref<1x32x1000xf32, #tpu.memory_space<vmem>>
    %dma_wait3A_163 = tpu.memref_squeeze %dma_wait3A_162 : memref<1x32x1000xf32, #tpu.memory_space<vmem>> -> memref<32x1000xf32, #tpu.memory_space<vmem>>
    %dma_wait3A_164 = arith.constant 0 : i32
    %dma_wait3A_165 = tpu.memref_slice %arg2[%add3A_152, %dma_wait3A_164] : memref<16384x1000xf32, #tpu.memory_space<hbm>> -> memref<32x1000xf32, #tpu.memory_space<hbm>>
    tpu.wait_dma2 semaphore(%arg5 : memref<!tpu.dma_semaphore, #tpu.memory_space<semaphore_mem>>) src(%dma_wait3A_165 : memref<32x1000xf32, #tpu.memory_space<hbm>>) dst(%dma_wait3A_163 : memref<32x1000xf32, #tpu.memory_space<vmem>>)
    %add3A_166 = arith.constant 192 : i32
    %add3A_167 = arith.addi %mul3A_2, %add3A_166 : i32
    %dma_start3A_168 = arith.constant 0 : i32
    %dma_start3A_169 = arith.constant 0 : i32
    %dma_start3A_170 = arith.constant 0 : i32
    %dma_start3A_171 = tpu.memref_slice %arg4[%dma_start3A_168, %dma_start3A_169, %dma_start3A_170] : memref<2x32x1000xf32, #tpu.memory_space<vmem>> -> memref<1x32x1000xf32, #tpu.memory_space<vmem>>
    %dma_start3A_172 = tpu.memref_squeeze %dma_start3A_171 : memref<1x32x1000xf32, #tpu.memory_space<vmem>> -> memref<32x1000xf32, #tpu.memory_space<vmem>>
    %dma_start3A_173 = arith.constant 0 : i32
    %dma_start3A_174 = tpu.memref_slice %arg2[%add3A_167, %dma_start3A_173] : memref<16384x1000xf32, #tpu.memory_space<hbm>> -> memref<32x1000xf32, #tpu.memory_space<hbm>>
    %dma_start3A_175 = arith.constant 0 : i32
    %dma_start3A_176 = arith.constant 0 : i32
    %dma_start3A_177 = tpu.memref_slice %arg4[%dma_start3A_168, %dma_start3A_175, %dma_start3A_176] : memref<2x32x1000xf32, #tpu.memory_space<vmem>> -> memref<1x32x1000xf32, #tpu.memory_space<vmem>>
    %dma_start3A_178 = tpu.memref_squeeze %dma_start3A_177 : memref<1x32x1000xf32, #tpu.memory_space<vmem>> -> memref<32x1000xf32, #tpu.memory_space<vmem>>
    %dma_start3A_179 = arith.constant 0 : i32
    %dma_start3A_180 = tpu.memref_slice %arg2[%add3A_167, %dma_start3A_179] : memref<16384x1000xf32, #tpu.memory_space<hbm>> -> memref<32x1000xf32, #tpu.memory_space<hbm>>
    tpu.enqueue_dma source(%dma_start3A_180 : memref<32x1000xf32, #tpu.memory_space<hbm>>) target(%dma_start3A_178 : memref<32x1000xf32, #tpu.memory_space<vmem>>) target_semaphore(%arg5 : memref<!tpu.dma_semaphore, #tpu.memory_space<semaphore_mem>>)
    %add3A_181 = arith.constant 160 : i32
    %add3A_182 = arith.addi %mul3A_2, %add3A_181 : i32
    %dma_wait3A_183 = arith.constant 1 : i32
    %dma_wait3A_184 = arith.constant 0 : i32
    %dma_wait3A_185 = arith.constant 0 : i32
    %dma_wait3A_186 = tpu.memref_slice %arg4[%dma_wait3A_183, %dma_wait3A_184, %dma_wait3A_185] : memref<2x32x1000xf32, #tpu.memory_space<vmem>> -> memref<1x32x1000xf32, #tpu.memory_space<vmem>>
    %dma_wait3A_187 = tpu.memref_squeeze %dma_wait3A_186 : memref<1x32x1000xf32, #tpu.memory_space<vmem>> -> memref<32x1000xf32, #tpu.memory_space<vmem>>
    %dma_wait3A_188 = arith.constant 0 : i32
    %dma_wait3A_189 = tpu.memref_slice %arg2[%add3A_182, %dma_wait3A_188] : memref<16384x1000xf32, #tpu.memory_space<hbm>> -> memref<32x1000xf32, #tpu.memory_space<hbm>>
    %dma_wait3A_190 = arith.constant 0 : i32
    %dma_wait3A_191 = arith.constant 0 : i32
    %dma_wait3A_192 = tpu.memref_slice %arg4[%dma_wait3A_183, %dma_wait3A_190, %dma_wait3A_191] : memref<2x32x1000xf32, #tpu.memory_space<vmem>> -> memref<1x32x1000xf32, #tpu.memory_space<vmem>>
    %dma_wait3A_193 = tpu.memref_squeeze %dma_wait3A_192 : memref<1x32x1000xf32, #tpu.memory_space<vmem>> -> memref<32x1000xf32, #tpu.memory_space<vmem>>
    %dma_wait3A_194 = arith.constant 0 : i32
    %dma_wait3A_195 = tpu.memref_slice %arg2[%add3A_182, %dma_wait3A_194] : memref<16384x1000xf32, #tpu.memory_space<hbm>> -> memref<32x1000xf32, #tpu.memory_space<hbm>>
    tpu.wait_dma2 semaphore(%arg6 : memref<!tpu.dma_semaphore, #tpu.memory_space<semaphore_mem>>) src(%dma_wait3A_195 : memref<32x1000xf32, #tpu.memory_space<hbm>>) dst(%dma_wait3A_193 : memref<32x1000xf32, #tpu.memory_space<vmem>>)
    %add3A_196 = arith.constant 224 : i32
    %add3A_197 = arith.addi %mul3A_2, %add3A_196 : i32
    %dma_start3A_198 = arith.constant 1 : i32
    %dma_start3A_199 = arith.constant 0 : i32
    %dma_start3A_200 = arith.constant 0 : i32
    %dma_start3A_201 = tpu.memref_slice %arg4[%dma_start3A_198, %dma_start3A_199, %dma_start3A_200] : memref<2x32x1000xf32, #tpu.memory_space<vmem>> -> memref<1x32x1000xf32, #tpu.memory_space<vmem>>
    %dma_start3A_202 = tpu.memref_squeeze %dma_start3A_201 : memref<1x32x1000xf32, #tpu.memory_space<vmem>> -> memref<32x1000xf32, #tpu.memory_space<vmem>>
    %dma_start3A_203 = arith.constant 0 : i32
    %dma_start3A_204 = tpu.memref_slice %arg2[%add3A_197, %dma_start3A_203] : memref<16384x1000xf32, #tpu.memory_space<hbm>> -> memref<32x1000xf32, #tpu.memory_space<hbm>>
    %dma_start3A_205 = arith.constant 0 : i32
    %dma_start3A_206 = arith.constant 0 : i32
    %dma_start3A_207 = tpu.memref_slice %arg4[%dma_start3A_198, %dma_start3A_205, %dma_start3A_206] : memref<2x32x1000xf32, #tpu.memory_space<vmem>> -> memref<1x32x1000xf32, #tpu.memory_space<vmem>>
    %dma_start3A_208 = tpu.memref_squeeze %dma_start3A_207 : memref<1x32x1000xf32, #tpu.memory_space<vmem>> -> memref<32x1000xf32, #tpu.memory_space<vmem>>
    %dma_start3A_209 = arith.constant 0 : i32
    %dma_start3A_210 = tpu.memref_slice %arg2[%add3A_197, %dma_start3A_209] : memref<16384x1000xf32, #tpu.memory_space<hbm>> -> memref<32x1000xf32, #tpu.memory_space<hbm>>
    tpu.enqueue_dma source(%dma_start3A_210 : memref<32x1000xf32, #tpu.memory_space<hbm>>) target(%dma_start3A_208 : memref<32x1000xf32, #tpu.memory_space<vmem>>) target_semaphore(%arg6 : memref<!tpu.dma_semaphore, #tpu.memory_space<semaphore_mem>>)
    %add3A_211 = arith.constant 192 : i32
    %add3A_212 = arith.addi %mul3A_2, %add3A_211 : i32
    %dma_wait3A_213 = arith.constant 0 : i32
    %dma_wait3A_214 = arith.constant 0 : i32
    %dma_wait3A_215 = arith.constant 0 : i32
    %dma_wait3A_216 = tpu.memref_slice %arg4[%dma_wait3A_213, %dma_wait3A_214, %dma_wait3A_215] : memref<2x32x1000xf32, #tpu.memory_space<vmem>> -> memref<1x32x1000xf32, #tpu.memory_space<vmem>>
    %dma_wait3A_217 = tpu.memref_squeeze %dma_wait3A_216 : memref<1x32x1000xf32, #tpu.memory_space<vmem>> -> memref<32x1000xf32, #tpu.memory_space<vmem>>
    %dma_wait3A_218 = arith.constant 0 : i32
    %dma_wait3A_219 = tpu.memref_slice %arg2[%add3A_212, %dma_wait3A_218] : memref<16384x1000xf32, #tpu.memory_space<hbm>> -> memref<32x1000xf32, #tpu.memory_space<hbm>>
    %dma_wait3A_220 = arith.constant 0 : i32
    %dma_wait3A_221 = arith.constant 0 : i32
    %dma_wait3A_222 = tpu.memref_slice %arg4[%dma_wait3A_213, %dma_wait3A_220, %dma_wait3A_221] : memref<2x32x1000xf32, #tpu.memory_space<vmem>> -> memref<1x32x1000xf32, #tpu.memory_space<vmem>>
    %dma_wait3A_223 = tpu.memref_squeeze %dma_wait3A_222 : memref<1x32x1000xf32, #tpu.memory_space<vmem>> -> memref<32x1000xf32, #tpu.memory_space<vmem>>
    %dma_wait3A_224 = arith.constant 0 : i32
    %dma_wait3A_225 = tpu.memref_slice %arg2[%add3A_212, %dma_wait3A_224] : memref<16384x1000xf32, #tpu.memory_space<hbm>> -> memref<32x1000xf32, #tpu.memory_space<hbm>>
    tpu.wait_dma2 semaphore(%arg5 : memref<!tpu.dma_semaphore, #tpu.memory_space<semaphore_mem>>) src(%dma_wait3A_225 : memref<32x1000xf32, #tpu.memory_space<hbm>>) dst(%dma_wait3A_223 : memref<32x1000xf32, #tpu.memory_space<vmem>>)
    %add3A_226 = arith.constant 256 : i32
    %add3A_227 = arith.addi %mul3A_2, %add3A_226 : i32
    %dma_start3A_228 = arith.constant 0 : i32
    %dma_start3A_229 = arith.constant 0 : i32
    %dma_start3A_230 = arith.constant 0 : i32
    %dma_start3A_231 = tpu.memref_slice %arg4[%dma_start3A_228, %dma_start3A_229, %dma_start3A_230] : memref<2x32x1000xf32, #tpu.memory_space<vmem>> -> memref<1x32x1000xf32, #tpu.memory_space<vmem>>
    %dma_start3A_232 = tpu.memref_squeeze %dma_start3A_231 : memref<1x32x1000xf32, #tpu.memory_space<vmem>> -> memref<32x1000xf32, #tpu.memory_space<vmem>>
    %dma_start3A_233 = arith.constant 0 : i32
    %dma_start3A_234 = tpu.memref_slice %arg2[%add3A_227, %dma_start3A_233] : memref<16384x1000xf32, #tpu.memory_space<hbm>> -> memref<32x1000xf32, #tpu.memory_space<hbm>>
    %dma_start3A_235 = arith.constant 0 : i32
    %dma_start3A_236 = arith.constant 0 : i32
    %dma_start3A_237 = tpu.memref_slice %arg4[%dma_start3A_228, %dma_start3A_235, %dma_start3A_236] : memref<2x32x1000xf32, #tpu.memory_space<vmem>> -> memref<1x32x1000xf32, #tpu.memory_space<vmem>>
    %dma_start3A_238 = tpu.memref_squeeze %dma_start3A_237 : memref<1x32x1000xf32, #tpu.memory_space<vmem>> -> memref<32x1000xf32, #tpu.memory_space<vmem>>
    %dma_start3A_239 = arith.constant 0 : i32
    %dma_start3A_240 = tpu.memref_slice %arg2[%add3A_227, %dma_start3A_239] : memref<16384x1000xf32, #tpu.memory_space<hbm>> -> memref<32x1000xf32, #tpu.memory_space<hbm>>
    tpu.enqueue_dma source(%dma_start3A_240 : memref<32x1000xf32, #tpu.memory_space<hbm>>) target(%dma_start3A_238 : memref<32x1000xf32, #tpu.memory_space<vmem>>) target_semaphore(%arg5 : memref<!tpu.dma_semaphore, #tpu.memory_space<semaphore_mem>>)
    %add3A_241 = arith.constant 224 : i32
    %add3A_242 = arith.addi %mul3A_2, %add3A_241 : i32
    %dma_wait3A_243 = arith.constant 1 : i32
    %dma_wait3A_244 = arith.constant 0 : i32
    %dma_wait3A_245 = arith.constant 0 : i32
    %dma_wait3A_246 = tpu.memref_slice %arg4[%dma_wait3A_243, %dma_wait3A_244, %dma_wait3A_245] : memref<2x32x1000xf32, #tpu.memory_space<vmem>> -> memref<1x32x1000xf32, #tpu.memory_space<vmem>>
    %dma_wait3A_247 = tpu.memref_squeeze %dma_wait3A_246 : memref<1x32x1000xf32, #tpu.memory_space<vmem>> -> memref<32x1000xf32, #tpu.memory_space<vmem>>
    %dma_wait3A_248 = arith.constant 0 : i32
    %dma_wait3A_249 = tpu.memref_slice %arg2[%add3A_242, %dma_wait3A_248] : memref<16384x1000xf32, #tpu.memory_space<hbm>> -> memref<32x1000xf32, #tpu.memory_space<hbm>>
    %dma_wait3A_250 = arith.constant 0 : i32
    %dma_wait3A_251 = arith.constant 0 : i32
    %dma_wait3A_252 = tpu.memref_slice %arg4[%dma_wait3A_243, %dma_wait3A_250, %dma_wait3A_251] : memref<2x32x1000xf32, #tpu.memory_space<vmem>> -> memref<1x32x1000xf32, #tpu.memory_space<vmem>>
    %dma_wait3A_253 = tpu.memref_squeeze %dma_wait3A_252 : memref<1x32x1000xf32, #tpu.memory_space<vmem>> -> memref<32x1000xf32, #tpu.memory_space<vmem>>
    %dma_wait3A_254 = arith.constant 0 : i32
    %dma_wait3A_255 = tpu.memref_slice %arg2[%add3A_242, %dma_wait3A_254] : memref<16384x1000xf32, #tpu.memory_space<hbm>> -> memref<32x1000xf32, #tpu.memory_space<hbm>>
    tpu.wait_dma2 semaphore(%arg6 : memref<!tpu.dma_semaphore, #tpu.memory_space<semaphore_mem>>) src(%dma_wait3A_255 : memref<32x1000xf32, #tpu.memory_space<hbm>>) dst(%dma_wait3A_253 : memref<32x1000xf32, #tpu.memory_space<vmem>>)
    %add3A_256 = arith.constant 288 : i32
    %add3A_257 = arith.addi %mul3A_2, %add3A_256 : i32
    %dma_start3A_258 = arith.constant 1 : i32
    %dma_start3A_259 = arith.constant 0 : i32
    %dma_start3A_260 = arith.constant 0 : i32
    %dma_start3A_261 = tpu.memref_slice %arg4[%dma_start3A_258, %dma_start3A_259, %dma_start3A_260] : memref<2x32x1000xf32, #tpu.memory_space<vmem>> -> memref<1x32x1000xf32, #tpu.memory_space<vmem>>
    %dma_start3A_262 = tpu.memref_squeeze %dma_start3A_261 : memref<1x32x1000xf32, #tpu.memory_space<vmem>> -> memref<32x1000xf32, #tpu.memory_space<vmem>>
    %dma_start3A_263 = arith.constant 0 : i32
    %dma_start3A_264 = tpu.memref_slice %arg2[%add3A_257, %dma_start3A_263] : memref<16384x1000xf32, #tpu.memory_space<hbm>> -> memref<32x1000xf32, #tpu.memory_space<hbm>>
    %dma_start3A_265 = arith.constant 0 : i32
    %dma_start3A_266 = arith.constant 0 : i32
    %dma_start3A_267 = tpu.memref_slice %arg4[%dma_start3A_258, %dma_start3A_265, %dma_start3A_266] : memref<2x32x1000xf32, #tpu.memory_space<vmem>> -> memref<1x32x1000xf32, #tpu.memory_space<vmem>>
    %dma_start3A_268 = tpu.memref_squeeze %dma_start3A_267 : memref<1x32x1000xf32, #tpu.memory_space<vmem>> -> memref<32x1000xf32, #tpu.memory_space<vmem>>
    %dma_start3A_269 = arith.constant 0 : i32
    %dma_start3A_270 = tpu.memref_slice %arg2[%add3A_257, %dma_start3A_269] : memref<16384x1000xf32, #tpu.memory_space<hbm>> -> memref<32x1000xf32, #tpu.memory_space<hbm>>
    tpu.enqueue_dma source(%dma_start3A_270 : memref<32x1000xf32, #tpu.memory_space<hbm>>) target(%dma_start3A_268 : memref<32x1000xf32, #tpu.memory_space<vmem>>) target_semaphore(%arg6 : memref<!tpu.dma_semaphore, #tpu.memory_space<semaphore_mem>>)
    %add3A_271 = arith.constant 256 : i32
    %add3A_272 = arith.addi %mul3A_2, %add3A_271 : i32
    %dma_wait3A_273 = arith.constant 0 : i32
    %dma_wait3A_274 = arith.constant 0 : i32
    %dma_wait3A_275 = arith.constant 0 : i32
    %dma_wait3A_276 = tpu.memref_slice %arg4[%dma_wait3A_273, %dma_wait3A_274, %dma_wait3A_275] : memref<2x32x1000xf32, #tpu.memory_space<vmem>> -> memref<1x32x1000xf32, #tpu.memory_space<vmem>>
    %dma_wait3A_277 = tpu.memref_squeeze %dma_wait3A_276 : memref<1x32x1000xf32, #tpu.memory_space<vmem>> -> memref<32x1000xf32, #tpu.memory_space<vmem>>
    %dma_wait3A_278 = arith.constant 0 : i32
    %dma_wait3A_279 = tpu.memref_slice %arg2[%add3A_272, %dma_wait3A_278] : memref<16384x1000xf32, #tpu.memory_space<hbm>> -> memref<32x1000xf32, #tpu.memory_space<hbm>>
    %dma_wait3A_280 = arith.constant 0 : i32
    %dma_wait3A_281 = arith.constant 0 : i32
    %dma_wait3A_282 = tpu.memref_slice %arg4[%dma_wait3A_273, %dma_wait3A_280, %dma_wait3A_281] : memref<2x32x1000xf32, #tpu.memory_space<vmem>> -> memref<1x32x1000xf32, #tpu.memory_space<vmem>>
    %dma_wait3A_283 = tpu.memref_squeeze %dma_wait3A_282 : memref<1x32x1000xf32, #tpu.memory_space<vmem>> -> memref<32x1000xf32, #tpu.memory_space<vmem>>
    %dma_wait3A_284 = arith.constant 0 : i32
    %dma_wait3A_285 = tpu.memref_slice %arg2[%add3A_272, %dma_wait3A_284] : memref<16384x1000xf32, #tpu.memory_space<hbm>> -> memref<32x1000xf32, #tpu.memory_space<hbm>>
    tpu.wait_dma2 semaphore(%arg5 : memref<!tpu.dma_semaphore, #tpu.memory_space<semaphore_mem>>) src(%dma_wait3A_285 : memref<32x1000xf32, #tpu.memory_space<hbm>>) dst(%dma_wait3A_283 : memref<32x1000xf32, #tpu.memory_space<vmem>>)
    %add3A_286 = arith.constant 320 : i32
    %add3A_287 = arith.addi %mul3A_2, %add3A_286 : i32
    %dma_start3A_288 = arith.constant 0 : i32
    %dma_start3A_289 = arith.constant 0 : i32
    %dma_start3A_290 = arith.constant 0 : i32
    %dma_start3A_291 = tpu.memref_slice %arg4[%dma_start3A_288, %dma_start3A_289, %dma_start3A_290] : memref<2x32x1000xf32, #tpu.memory_space<vmem>> -> memref<1x32x1000xf32, #tpu.memory_space<vmem>>
    %dma_start3A_292 = tpu.memref_squeeze %dma_start3A_291 : memref<1x32x1000xf32, #tpu.memory_space<vmem>> -> memref<32x1000xf32, #tpu.memory_space<vmem>>
    %dma_start3A_293 = arith.constant 0 : i32
    %dma_start3A_294 = tpu.memref_slice %arg2[%add3A_287, %dma_start3A_293] : memref<16384x1000xf32, #tpu.memory_space<hbm>> -> memref<32x1000xf32, #tpu.memory_space<hbm>>
    %dma_start3A_295 = arith.constant 0 : i32
    %dma_start3A_296 = arith.constant 0 : i32
    %dma_start3A_297 = tpu.memref_slice %arg4[%dma_start3A_288, %dma_start3A_295, %dma_start3A_296] : memref<2x32x1000xf32, #tpu.memory_space<vmem>> -> memref<1x32x1000xf32, #tpu.memory_space<vmem>>
    %dma_start3A_298 = tpu.memref_squeeze %dma_start3A_297 : memref<1x32x1000xf32, #tpu.memory_space<vmem>> -> memref<32x1000xf32, #tpu.memory_space<vmem>>
    %dma_start3A_299 = arith.constant 0 : i32
    %dma_start3A_300 = tpu.memref_slice %arg2[%add3A_287, %dma_start3A_299] : memref<16384x1000xf32, #tpu.memory_space<hbm>> -> memref<32x1000xf32, #tpu.memory_space<hbm>>
    tpu.enqueue_dma source(%dma_start3A_300 : memref<32x1000xf32, #tpu.memory_space<hbm>>) target(%dma_start3A_298 : memref<32x1000xf32, #tpu.memory_space<vmem>>) target_semaphore(%arg5 : memref<!tpu.dma_semaphore, #tpu.memory_space<semaphore_mem>>)
    %add3A_301 = arith.constant 288 : i32
    %add3A_302 = arith.addi %mul3A_2, %add3A_301 : i32
    %dma_wait3A_303 = arith.constant 1 : i32
    %dma_wait3A_304 = arith.constant 0 : i32
    %dma_wait3A_305 = arith.constant 0 : i32
    %dma_wait3A_306 = tpu.memref_slice %arg4[%dma_wait3A_303, %dma_wait3A_304, %dma_wait3A_305] : memref<2x32x1000xf32, #tpu.memory_space<vmem>> -> memref<1x32x1000xf32, #tpu.memory_space<vmem>>
    %dma_wait3A_307 = tpu.memref_squeeze %dma_wait3A_306 : memref<1x32x1000xf32, #tpu.memory_space<vmem>> -> memref<32x1000xf32, #tpu.memory_space<vmem>>
    %dma_wait3A_308 = arith.constant 0 : i32
    %dma_wait3A_309 = tpu.memref_slice %arg2[%add3A_302, %dma_wait3A_308] : memref<16384x1000xf32, #tpu.memory_space<hbm>> -> memref<32x1000xf32, #tpu.memory_space<hbm>>
    %dma_wait3A_310 = arith.constant 0 : i32
    %dma_wait3A_311 = arith.constant 0 : i32
    %dma_wait3A_312 = tpu.memref_slice %arg4[%dma_wait3A_303, %dma_wait3A_310, %dma_wait3A_311] : memref<2x32x1000xf32, #tpu.memory_space<vmem>> -> memref<1x32x1000xf32, #tpu.memory_space<vmem>>
    %dma_wait3A_313 = tpu.memref_squeeze %dma_wait3A_312 : memref<1x32x1000xf32, #tpu.memory_space<vmem>> -> memref<32x1000xf32, #tpu.memory_space<vmem>>
    %dma_wait3A_314 = arith.constant 0 : i32
    %dma_wait3A_315 = tpu.memref_slice %arg2[%add3A_302, %dma_wait3A_314] : memref<16384x1000xf32, #tpu.memory_space<hbm>> -> memref<32x1000xf32, #tpu.memory_space<hbm>>
    tpu.wait_dma2 semaphore(%arg6 : memref<!tpu.dma_semaphore, #tpu.memory_space<semaphore_mem>>) src(%dma_wait3A_315 : memref<32x1000xf32, #tpu.memory_space<hbm>>) dst(%dma_wait3A_313 : memref<32x1000xf32, #tpu.memory_space<vmem>>)
    %add3A_316 = arith.constant 352 : i32
    %add3A_317 = arith.addi %mul3A_2, %add3A_316 : i32
    %dma_start3A_318 = arith.constant 1 : i32
    %dma_start3A_319 = arith.constant 0 : i32
    %dma_start3A_320 = arith.constant 0 : i32
    %dma_start3A_321 = tpu.memref_slice %arg4[%dma_start3A_318, %dma_start3A_319, %dma_start3A_320] : memref<2x32x1000xf32, #tpu.memory_space<vmem>> -> memref<1x32x1000xf32, #tpu.memory_space<vmem>>
    %dma_start3A_322 = tpu.memref_squeeze %dma_start3A_321 : memref<1x32x1000xf32, #tpu.memory_space<vmem>> -> memref<32x1000xf32, #tpu.memory_space<vmem>>
    %dma_start3A_323 = arith.constant 0 : i32
    %dma_start3A_324 = tpu.memref_slice %arg2[%add3A_317, %dma_start3A_323] : memref<16384x1000xf32, #tpu.memory_space<hbm>> -> memref<32x1000xf32, #tpu.memory_space<hbm>>
    %dma_start3A_325 = arith.constant 0 : i32
    %dma_start3A_326 = arith.constant 0 : i32
    %dma_start3A_327 = tpu.memref_slice %arg4[%dma_start3A_318, %dma_start3A_325, %dma_start3A_326] : memref<2x32x1000xf32, #tpu.memory_space<vmem>> -> memref<1x32x1000xf32, #tpu.memory_space<vmem>>
    %dma_start3A_328 = tpu.memref_squeeze %dma_start3A_327 : memref<1x32x1000xf32, #tpu.memory_space<vmem>> -> memref<32x1000xf32, #tpu.memory_space<vmem>>
    %dma_start3A_329 = arith.constant 0 : i32
    %dma_start3A_330 = tpu.memref_slice %arg2[%add3A_317, %dma_start3A_329] : memref<16384x1000xf32, #tpu.memory_space<hbm>> -> memref<32x1000xf32, #tpu.memory_space<hbm>>
    tpu.enqueue_dma source(%dma_start3A_330 : memref<32x1000xf32, #tpu.memory_space<hbm>>) target(%dma_start3A_328 : memref<32x1000xf32, #tpu.memory_space<vmem>>) target_semaphore(%arg6 : memref<!tpu.dma_semaphore, #tpu.memory_space<semaphore_mem>>)
    %add3A_331 = arith.constant 320 : i32
    %add3A_332 = arith.addi %mul3A_2, %add3A_331 : i32
    %dma_wait3A_333 = arith.constant 0 : i32
    %dma_wait3A_334 = arith.constant 0 : i32
    %dma_wait3A_335 = arith.constant 0 : i32
    %dma_wait3A_336 = tpu.memref_slice %arg4[%dma_wait3A_333, %dma_wait3A_334, %dma_wait3A_335] : memref<2x32x1000xf32, #tpu.memory_space<vmem>> -> memref<1x32x1000xf32, #tpu.memory_space<vmem>>
    %dma_wait3A_337 = tpu.memref_squeeze %dma_wait3A_336 : memref<1x32x1000xf32, #tpu.memory_space<vmem>> -> memref<32x1000xf32, #tpu.memory_space<vmem>>
    %dma_wait3A_338 = arith.constant 0 : i32
    %dma_wait3A_339 = tpu.memref_slice %arg2[%add3A_332, %dma_wait3A_338] : memref<16384x1000xf32, #tpu.memory_space<hbm>> -> memref<32x1000xf32, #tpu.memory_space<hbm>>
    %dma_wait3A_340 = arith.constant 0 : i32
    %dma_wait3A_341 = arith.constant 0 : i32
    %dma_wait3A_342 = tpu.memref_slice %arg4[%dma_wait3A_333, %dma_wait3A_340, %dma_wait3A_341] : memref<2x32x1000xf32, #tpu.memory_space<vmem>> -> memref<1x32x1000xf32, #tpu.memory_space<vmem>>
    %dma_wait3A_343 = tpu.memref_squeeze %dma_wait3A_342 : memref<1x32x1000xf32, #tpu.memory_space<vmem>> -> memref<32x1000xf32, #tpu.memory_space<vmem>>
    %dma_wait3A_344 = arith.constant 0 : i32
    %dma_wait3A_345 = tpu.memref_slice %arg2[%add3A_332, %dma_wait3A_344] : memref<16384x1000xf32, #tpu.memory_space<hbm>> -> memref<32x1000xf32, #tpu.memory_space<hbm>>
    tpu.wait_dma2 semaphore(%arg5 : memref<!tpu.dma_semaphore, #tpu.memory_space<semaphore_mem>>) src(%dma_wait3A_345 : memref<32x1000xf32, #tpu.memory_space<hbm>>) dst(%dma_wait3A_343 : memref<32x1000xf32, #tpu.memory_space<vmem>>)
    %add3A_346 = arith.constant 384 : i32
    %add3A_347 = arith.addi %mul3A_2, %add3A_346 : i32
    %dma_start3A_348 = arith.constant 0 : i32
    %dma_start3A_349 = arith.constant 0 : i32
    %dma_start3A_350 = arith.constant 0 : i32
    %dma_start3A_351 = tpu.memref_slice %arg4[%dma_start3A_348, %dma_start3A_349, %dma_start3A_350] : memref<2x32x1000xf32, #tpu.memory_space<vmem>> -> memref<1x32x1000xf32, #tpu.memory_space<vmem>>
    %dma_start3A_352 = tpu.memref_squeeze %dma_start3A_351 : memref<1x32x1000xf32, #tpu.memory_space<vmem>> -> memref<32x1000xf32, #tpu.memory_space<vmem>>
    %dma_start3A_353 = arith.constant 0 : i32
    %dma_start3A_354 = tpu.memref_slice %arg2[%add3A_347, %dma_start3A_353] : memref<16384x1000xf32, #tpu.memory_space<hbm>> -> memref<32x1000xf32, #tpu.memory_space<hbm>>
    %dma_start3A_355 = arith.constant 0 : i32
    %dma_start3A_356 = arith.constant 0 : i32
    %dma_start3A_357 = tpu.memref_slice %arg4[%dma_start3A_348, %dma_start3A_355, %dma_start3A_356] : memref<2x32x1000xf32, #tpu.memory_space<vmem>> -> memref<1x32x1000xf32, #tpu.memory_space<vmem>>
    %dma_start3A_358 = tpu.memref_squeeze %dma_start3A_357 : memref<1x32x1000xf32, #tpu.memory_space<vmem>> -> memref<32x1000xf32, #tpu.memory_space<vmem>>
    %dma_start3A_359 = arith.constant 0 : i32
    %dma_start3A_360 = tpu.memref_slice %arg2[%add3A_347, %dma_start3A_359] : memref<16384x1000xf32, #tpu.memory_space<hbm>> -> memref<32x1000xf32, #tpu.memory_space<hbm>>
    tpu.enqueue_dma source(%dma_start3A_360 : memref<32x1000xf32, #tpu.memory_space<hbm>>) target(%dma_start3A_358 : memref<32x1000xf32, #tpu.memory_space<vmem>>) target_semaphore(%arg5 : memref<!tpu.dma_semaphore, #tpu.memory_space<semaphore_mem>>)
    %add3A_361 = arith.constant 352 : i32
    %add3A_362 = arith.addi %mul3A_2, %add3A_361 : i32
    %dma_wait3A_363 = arith.constant 1 : i32
    %dma_wait3A_364 = arith.constant 0 : i32
    %dma_wait3A_365 = arith.constant 0 : i32
    %dma_wait3A_366 = tpu.memref_slice %arg4[%dma_wait3A_363, %dma_wait3A_364, %dma_wait3A_365] : memref<2x32x1000xf32, #tpu.memory_space<vmem>> -> memref<1x32x1000xf32, #tpu.memory_space<vmem>>
    %dma_wait3A_367 = tpu.memref_squeeze %dma_wait3A_366 : memref<1x32x1000xf32, #tpu.memory_space<vmem>> -> memref<32x1000xf32, #tpu.memory_space<vmem>>
    %dma_wait3A_368 = arith.constant 0 : i32
    %dma_wait3A_369 = tpu.memref_slice %arg2[%add3A_362, %dma_wait3A_368] : memref<16384x1000xf32, #tpu.memory_space<hbm>> -> memref<32x1000xf32, #tpu.memory_space<hbm>>
    %dma_wait3A_370 = arith.constant 0 : i32
    %dma_wait3A_371 = arith.constant 0 : i32
    %dma_wait3A_372 = tpu.memref_slice %arg4[%dma_wait3A_363, %dma_wait3A_370, %dma_wait3A_371] : memref<2x32x1000xf32, #tpu.memory_space<vmem>> -> memref<1x32x1000xf32, #tpu.memory_space<vmem>>
    %dma_wait3A_373 = tpu.memref_squeeze %dma_wait3A_372 : memref<1x32x1000xf32, #tpu.memory_space<vmem>> -> memref<32x1000xf32, #tpu.memory_space<vmem>>
    %dma_wait3A_374 = arith.constant 0 : i32
    %dma_wait3A_375 = tpu.memref_slice %arg2[%add3A_362, %dma_wait3A_374] : memref<16384x1000xf32, #tpu.memory_space<hbm>> -> memref<32x1000xf32, #tpu.memory_space<hbm>>
    tpu.wait_dma2 semaphore(%arg6 : memref<!tpu.dma_semaphore, #tpu.memory_space<semaphore_mem>>) src(%dma_wait3A_375 : memref<32x1000xf32, #tpu.memory_space<hbm>>) dst(%dma_wait3A_373 : memref<32x1000xf32, #tpu.memory_space<vmem>>)
    %add3A_376 = arith.constant 416 : i32
    %add3A_377 = arith.addi %mul3A_2, %add3A_376 : i32
    %dma_start3A_378 = arith.constant 1 : i32
    %dma_start3A_379 = arith.constant 0 : i32
    %dma_start3A_380 = arith.constant 0 : i32
    %dma_start3A_381 = tpu.memref_slice %arg4[%dma_start3A_378, %dma_start3A_379, %dma_start3A_380] : memref<2x32x1000xf32, #tpu.memory_space<vmem>> -> memref<1x32x1000xf32, #tpu.memory_space<vmem>>
    %dma_start3A_382 = tpu.memref_squeeze %dma_start3A_381 : memref<1x32x1000xf32, #tpu.memory_space<vmem>> -> memref<32x1000xf32, #tpu.memory_space<vmem>>
    %dma_start3A_383 = arith.constant 0 : i32
    %dma_start3A_384 = tpu.memref_slice %arg2[%add3A_377, %dma_start3A_383] : memref<16384x1000xf32, #tpu.memory_space<hbm>> -> memref<32x1000xf32, #tpu.memory_space<hbm>>
    %dma_start3A_385 = arith.constant 0 : i32
    %dma_start3A_386 = arith.constant 0 : i32
    %dma_start3A_387 = tpu.memref_slice %arg4[%dma_start3A_378, %dma_start3A_385, %dma_start3A_386] : memref<2x32x1000xf32, #tpu.memory_space<vmem>> -> memref<1x32x1000xf32, #tpu.memory_space<vmem>>
    %dma_start3A_388 = tpu.memref_squeeze %dma_start3A_387 : memref<1x32x1000xf32, #tpu.memory_space<vmem>> -> memref<32x1000xf32, #tpu.memory_space<vmem>>
    %dma_start3A_389 = arith.constant 0 : i32
    %dma_start3A_390 = tpu.memref_slice %arg2[%add3A_377, %dma_start3A_389] : memref<16384x1000xf32, #tpu.memory_space<hbm>> -> memref<32x1000xf32, #tpu.memory_space<hbm>>
    tpu.enqueue_dma source(%dma_start3A_390 : memref<32x1000xf32, #tpu.memory_space<hbm>>) target(%dma_start3A_388 : memref<32x1000xf32, #tpu.memory_space<vmem>>) target_semaphore(%arg6 : memref<!tpu.dma_semaphore, #tpu.memory_space<semaphore_mem>>)
    %add3A_391 = arith.constant 384 : i32
    %add3A_392 = arith.addi %mul3A_2, %add3A_391 : i32
    %dma_wait3A_393 = arith.constant 0 : i32
    %dma_wait3A_394 = arith.constant 0 : i32
    %dma_wait3A_395 = arith.constant 0 : i32
    %dma_wait3A_396 = tpu.memref_slice %arg4[%dma_wait3A_393, %dma_wait3A_394, %dma_wait3A_395] : memref<2x32x1000xf32, #tpu.memory_space<vmem>> -> memref<1x32x1000xf32, #tpu.memory_space<vmem>>
    %dma_wait3A_397 = tpu.memref_squeeze %dma_wait3A_396 : memref<1x32x1000xf32, #tpu.memory_space<vmem>> -> memref<32x1000xf32, #tpu.memory_space<vmem>>
    %dma_wait3A_398 = arith.constant 0 : i32
    %dma_wait3A_399 = tpu.memref_slice %arg2[%add3A_392, %dma_wait3A_398] : memref<16384x1000xf32, #tpu.memory_space<hbm>> -> memref<32x1000xf32, #tpu.memory_space<hbm>>
    %dma_wait3A_400 = arith.constant 0 : i32
    %dma_wait3A_401 = arith.constant 0 : i32
    %dma_wait3A_402 = tpu.memref_slice %arg4[%dma_wait3A_393, %dma_wait3A_400, %dma_wait3A_401] : memref<2x32x1000xf32, #tpu.memory_space<vmem>> -> memref<1x32x1000xf32, #tpu.memory_space<vmem>>
    %dma_wait3A_403 = tpu.memref_squeeze %dma_wait3A_402 : memref<1x32x1000xf32, #tpu.memory_space<vmem>> -> memref<32x1000xf32, #tpu.memory_space<vmem>>
    %dma_wait3A_404 = arith.constant 0 : i32
    %dma_wait3A_405 = tpu.memref_slice %arg2[%add3A_392, %dma_wait3A_404] : memref<16384x1000xf32, #tpu.memory_space<hbm>> -> memref<32x1000xf32, #tpu.memory_space<hbm>>
    tpu.wait_dma2 semaphore(%arg5 : memref<!tpu.dma_semaphore, #tpu.memory_space<semaphore_mem>>) src(%dma_wait3A_405 : memref<32x1000xf32, #tpu.memory_space<hbm>>) dst(%dma_wait3A_403 : memref<32x1000xf32, #tpu.memory_space<vmem>>)
    %add3A_406 = arith.constant 448 : i32
    %add3A_407 = arith.addi %mul3A_2, %add3A_406 : i32
    %dma_start3A_408 = arith.constant 0 : i32
    %dma_start3A_409 = arith.constant 0 : i32
    %dma_start3A_410 = arith.constant 0 : i32
    %dma_start3A_411 = tpu.memref_slice %arg4[%dma_start3A_408, %dma_start3A_409, %dma_start3A_410] : memref<2x32x1000xf32, #tpu.memory_space<vmem>> -> memref<1x32x1000xf32, #tpu.memory_space<vmem>>
    %dma_start3A_412 = tpu.memref_squeeze %dma_start3A_411 : memref<1x32x1000xf32, #tpu.memory_space<vmem>> -> memref<32x1000xf32, #tpu.memory_space<vmem>>
    %dma_start3A_413 = arith.constant 0 : i32
    %dma_start3A_414 = tpu.memref_slice %arg2[%add3A_407, %dma_start3A_413] : memref<16384x1000xf32, #tpu.memory_space<hbm>> -> memref<32x1000xf32, #tpu.memory_space<hbm>>
    %dma_start3A_415 = arith.constant 0 : i32
    %dma_start3A_416 = arith.constant 0 : i32
    %dma_start3A_417 = tpu.memref_slice %arg4[%dma_start3A_408, %dma_start3A_415, %dma_start3A_416] : memref<2x32x1000xf32, #tpu.memory_space<vmem>> -> memref<1x32x1000xf32, #tpu.memory_space<vmem>>
    %dma_start3A_418 = tpu.memref_squeeze %dma_start3A_417 : memref<1x32x1000xf32, #tpu.memory_space<vmem>> -> memref<32x1000xf32, #tpu.memory_space<vmem>>
    %dma_start3A_419 = arith.constant 0 : i32
    %dma_start3A_420 = tpu.memref_slice %arg2[%add3A_407, %dma_start3A_419] : memref<16384x1000xf32, #tpu.memory_space<hbm>> -> memref<32x1000xf32, #tpu.memory_space<hbm>>
    tpu.enqueue_dma source(%dma_start3A_420 : memref<32x1000xf32, #tpu.memory_space<hbm>>) target(%dma_start3A_418 : memref<32x1000xf32, #tpu.memory_space<vmem>>) target_semaphore(%arg5 : memref<!tpu.dma_semaphore, #tpu.memory_space<semaphore_mem>>)
    %add3A_421 = arith.constant 416 : i32
    %add3A_422 = arith.addi %mul3A_2, %add3A_421 : i32
    %dma_wait3A_423 = arith.constant 1 : i32
    %dma_wait3A_424 = arith.constant 0 : i32
    %dma_wait3A_425 = arith.constant 0 : i32
    %dma_wait3A_426 = tpu.memref_slice %arg4[%dma_wait3A_423, %dma_wait3A_424, %dma_wait3A_425] : memref<2x32x1000xf32, #tpu.memory_space<vmem>> -> memref<1x32x1000xf32, #tpu.memory_space<vmem>>
    %dma_wait3A_427 = tpu.memref_squeeze %dma_wait3A_426 : memref<1x32x1000xf32, #tpu.memory_space<vmem>> -> memref<32x1000xf32, #tpu.memory_space<vmem>>
    %dma_wait3A_428 = arith.constant 0 : i32
    %dma_wait3A_429 = tpu.memref_slice %arg2[%add3A_422, %dma_wait3A_428] : memref<16384x1000xf32, #tpu.memory_space<hbm>> -> memref<32x1000xf32, #tpu.memory_space<hbm>>
    %dma_wait3A_430 = arith.constant 0 : i32
    %dma_wait3A_431 = arith.constant 0 : i32
    %dma_wait3A_432 = tpu.memref_slice %arg4[%dma_wait3A_423, %dma_wait3A_430, %dma_wait3A_431] : memref<2x32x1000xf32, #tpu.memory_space<vmem>> -> memref<1x32x1000xf32, #tpu.memory_space<vmem>>
    %dma_wait3A_433 = tpu.memref_squeeze %dma_wait3A_432 : memref<1x32x1000xf32, #tpu.memory_space<vmem>> -> memref<32x1000xf32, #tpu.memory_space<vmem>>
    %dma_wait3A_434 = arith.constant 0 : i32
    %dma_wait3A_435 = tpu.memref_slice %arg2[%add3A_422, %dma_wait3A_434] : memref<16384x1000xf32, #tpu.memory_space<hbm>> -> memref<32x1000xf32, #tpu.memory_space<hbm>>
    tpu.wait_dma2 semaphore(%arg6 : memref<!tpu.dma_semaphore, #tpu.memory_space<semaphore_mem>>) src(%dma_wait3A_435 : memref<32x1000xf32, #tpu.memory_space<hbm>>) dst(%dma_wait3A_433 : memref<32x1000xf32, #tpu.memory_space<vmem>>)
    %add3A_436 = arith.constant 480 : i32
    %add3A_437 = arith.addi %mul3A_2, %add3A_436 : i32
    %dma_start3A_438 = arith.constant 1 : i32
    %dma_start3A_439 = arith.constant 0 : i32
    %dma_start3A_440 = arith.constant 0 : i32
    %dma_start3A_441 = tpu.memref_slice %arg4[%dma_start3A_438, %dma_start3A_439, %dma_start3A_440] : memref<2x32x1000xf32, #tpu.memory_space<vmem>> -> memref<1x32x1000xf32, #tpu.memory_space<vmem>>
    %dma_start3A_442 = tpu.memref_squeeze %dma_start3A_441 : memref<1x32x1000xf32, #tpu.memory_space<vmem>> -> memref<32x1000xf32, #tpu.memory_space<vmem>>
    %dma_start3A_443 = arith.constant 0 : i32
    %dma_start3A_444 = tpu.memref_slice %arg2[%add3A_437, %dma_start3A_443] : memref<16384x1000xf32, #tpu.memory_space<hbm>> -> memref<32x1000xf32, #tpu.memory_space<hbm>>
    %dma_start3A_445 = arith.constant 0 : i32
    %dma_start3A_446 = arith.constant 0 : i32
    %dma_start3A_447 = tpu.memref_slice %arg4[%dma_start3A_438, %dma_start3A_445, %dma_start3A_446] : memref<2x32x1000xf32, #tpu.memory_space<vmem>> -> memref<1x32x1000xf32, #tpu.memory_space<vmem>>
    %dma_start3A_448 = tpu.memref_squeeze %dma_start3A_447 : memref<1x32x1000xf32, #tpu.memory_space<vmem>> -> memref<32x1000xf32, #tpu.memory_space<vmem>>
    %dma_start3A_449 = arith.constant 0 : i32
    %dma_start3A_450 = tpu.memref_slice %arg2[%add3A_437, %dma_start3A_449] : memref<16384x1000xf32, #tpu.memory_space<hbm>> -> memref<32x1000xf32, #tpu.memory_space<hbm>>
    tpu.enqueue_dma source(%dma_start3A_450 : memref<32x1000xf32, #tpu.memory_space<hbm>>) target(%dma_start3A_448 : memref<32x1000xf32, #tpu.memory_space<vmem>>) target_semaphore(%arg6 : memref<!tpu.dma_semaphore, #tpu.memory_space<semaphore_mem>>)
    %add3A_451 = arith.constant 448 : i32
    %add3A_452 = arith.addi %mul3A_2, %add3A_451 : i32
    %dma_wait3A_453 = arith.constant 0 : i32
    %dma_wait3A_454 = arith.constant 0 : i32
    %dma_wait3A_455 = arith.constant 0 : i32
    %dma_wait3A_456 = tpu.memref_slice %arg4[%dma_wait3A_453, %dma_wait3A_454, %dma_wait3A_455] : memref<2x32x1000xf32, #tpu.memory_space<vmem>> -> memref<1x32x1000xf32, #tpu.memory_space<vmem>>
    %dma_wait3A_457 = tpu.memref_squeeze %dma_wait3A_456 : memref<1x32x1000xf32, #tpu.memory_space<vmem>> -> memref<32x1000xf32, #tpu.memory_space<vmem>>
    %dma_wait3A_458 = arith.constant 0 : i32
    %dma_wait3A_459 = tpu.memref_slice %arg2[%add3A_452, %dma_wait3A_458] : memref<16384x1000xf32, #tpu.memory_space<hbm>> -> memref<32x1000xf32, #tpu.memory_space<hbm>>
    %dma_wait3A_460 = arith.constant 0 : i32
    %dma_wait3A_461 = arith.constant 0 : i32
    %dma_wait3A_462 = tpu.memref_slice %arg4[%dma_wait3A_453, %dma_wait3A_460, %dma_wait3A_461] : memref<2x32x1000xf32, #tpu.memory_space<vmem>> -> memref<1x32x1000xf32, #tpu.memory_space<vmem>>
    %dma_wait3A_463 = tpu.memref_squeeze %dma_wait3A_462 : memref<1x32x1000xf32, #tpu.memory_space<vmem>> -> memref<32x1000xf32, #tpu.memory_space<vmem>>
    %dma_wait3A_464 = arith.constant 0 : i32
    %dma_wait3A_465 = tpu.memref_slice %arg2[%add3A_452, %dma_wait3A_464] : memref<16384x1000xf32, #tpu.memory_space<hbm>> -> memref<32x1000xf32, #tpu.memory_space<hbm>>
    tpu.wait_dma2 semaphore(%arg5 : memref<!tpu.dma_semaphore, #tpu.memory_space<semaphore_mem>>) src(%dma_wait3A_465 : memref<32x1000xf32, #tpu.memory_space<hbm>>) dst(%dma_wait3A_463 : memref<32x1000xf32, #tpu.memory_space<vmem>>)
    %add3A_466 = arith.constant 480 : i32
    %add3A_467 = arith.addi %mul3A_2, %add3A_466 : i32
    %dma_wait3A_468 = arith.constant 1 : i32
    %dma_wait3A_469 = arith.constant 0 : i32
    %dma_wait3A_470 = arith.constant 0 : i32
    %dma_wait3A_471 = tpu.memref_slice %arg4[%dma_wait3A_468, %dma_wait3A_469, %dma_wait3A_470] : memref<2x32x1000xf32, #tpu.memory_space<vmem>> -> memref<1x32x1000xf32, #tpu.memory_space<vmem>>
    %dma_wait3A_472 = tpu.memref_squeeze %dma_wait3A_471 : memref<1x32x1000xf32, #tpu.memory_space<vmem>> -> memref<32x1000xf32, #tpu.memory_space<vmem>>
    %dma_wait3A_473 = arith.constant 0 : i32
    %dma_wait3A_474 = tpu.memref_slice %arg2[%add3A_467, %dma_wait3A_473] : memref<16384x1000xf32, #tpu.memory_space<hbm>> -> memref<32x1000xf32, #tpu.memory_space<hbm>>
    %dma_wait3A_475 = arith.constant 0 : i32
    %dma_wait3A_476 = arith.constant 0 : i32
    %dma_wait3A_477 = tpu.memref_slice %arg4[%dma_wait3A_468, %dma_wait3A_475, %dma_wait3A_476] : memref<2x32x1000xf32, #tpu.memory_space<vmem>> -> memref<1x32x1000xf32, #tpu.memory_space<vmem>>
    %dma_wait3A_478 = tpu.memref_squeeze %dma_wait3A_477 : memref<1x32x1000xf32, #tpu.memory_space<vmem>> -> memref<32x1000xf32, #tpu.memory_space<vmem>>
    %dma_wait3A_479 = arith.constant 0 : i32
    %dma_wait3A_480 = tpu.memref_slice %arg2[%add3A_467, %dma_wait3A_479] : memref<16384x1000xf32, #tpu.memory_space<hbm>> -> memref<32x1000xf32, #tpu.memory_space<hbm>>
    tpu.wait_dma2 semaphore(%arg6 : memref<!tpu.dma_semaphore, #tpu.memory_space<semaphore_mem>>) src(%dma_wait3A_480 : memref<32x1000xf32, #tpu.memory_space<hbm>>) dst(%dma_wait3A_478 : memref<32x1000xf32, #tpu.memory_space<vmem>>)
    %mul3A_481 = arith.constant 16 : i32
    %mul3A_482 = arith.muli %add3A, %mul3A_481 : i32
    %run_scoped3A = arith.constant 0 : i32
    %run_scoped3A_483 = arith.constant 0 : i32
    "tpu.region"() ({
      %run_scoped3A_484 = tpu.sem_alloc : memref<!tpu.dma_semaphore, #tpu.memory_space<semaphore_mem>>
      %dma_start3A_485 = arith.constant 0 : i32
      %dma_start3A_486 = tpu.memref_slice %arg4[%run_scoped3A, %run_scoped3A_483, %dma_start3A_485] : memref<2x32x1000xf32, #tpu.memory_space<vmem>> -> memref<1x1x16xf32, #tpu.memory_space<vmem>>
      %dma_start3A_487 = tpu.memref_squeeze %dma_start3A_486 : memref<1x1x16xf32, #tpu.memory_space<vmem>> -> memref<16xf32, #tpu.memory_space<vmem>>
      %dma_start3A_488 = tpu.memref_slice %arg3[%mul3A_482] : memref<512xf32, #tpu.memory_space<hbm>> -> memref<16xf32, #tpu.memory_space<hbm>>
      %dma_start3A_489 = tpu.memref_slice %arg3[%mul3A_482] : memref<512xf32, #tpu.memory_space<hbm>> -> memref<16xf32, #tpu.memory_space<hbm>>
      %dma_start3A_490 = arith.constant 0 : i32
      %dma_start3A_491 = tpu.memref_slice %arg4[%run_scoped3A, %run_scoped3A_483, %dma_start3A_490] : memref<2x32x1000xf32, #tpu.memory_space<vmem>> -> memref<1x1x16xf32, #tpu.memory_space<vmem>>
      %dma_start3A_492 = tpu.memref_squeeze %dma_start3A_491 : memref<1x1x16xf32, #tpu.memory_space<vmem>> -> memref<16xf32, #tpu.memory_space<vmem>>
      tpu.enqueue_dma source(%dma_start3A_492 : memref<16xf32, #tpu.memory_space<vmem>>) target(%dma_start3A_489 : memref<16xf32, #tpu.memory_space<hbm>>) target_semaphore(%run_scoped3A_484 : memref<!tpu.dma_semaphore, #tpu.memory_space<semaphore_mem>>)
      %dma_wait3A_493 = arith.constant 0 : i32
      %dma_wait3A_494 = tpu.memref_slice %arg4[%run_scoped3A, %run_scoped3A_483, %dma_wait3A_493] : memref<2x32x1000xf32, #tpu.memory_space<vmem>> -> memref<1x1x16xf32, #tpu.memory_space<vmem>>
      %dma_wait3A_495 = tpu.memref_squeeze %dma_wait3A_494 : memref<1x1x16xf32, #tpu.memory_space<vmem>> -> memref<16xf32, #tpu.memory_space<vmem>>
      %dma_wait3A_496 = tpu.memref_slice %arg3[%mul3A_482] : memref<512xf32, #tpu.memory_space<hbm>> -> memref<16xf32, #tpu.memory_space<hbm>>
      %dma_wait3A_497 = tpu.memref_slice %arg3[%mul3A_482] : memref<512xf32, #tpu.memory_space<hbm>> -> memref<16xf32, #tpu.memory_space<hbm>>
      %dma_wait3A_498 = arith.constant 0 : i32
      %dma_wait3A_499 = tpu.memref_slice %arg4[%run_scoped3A, %run_scoped3A_483, %dma_wait3A_498] : memref<2x32x1000xf32, #tpu.memory_space<vmem>> -> memref<1x1x16xf32, #tpu.memory_space<vmem>>
      %dma_wait3A_500 = tpu.memref_squeeze %dma_wait3A_499 : memref<1x1x16xf32, #tpu.memory_space<vmem>> -> memref<16xf32, #tpu.memory_space<vmem>>
      tpu.wait_dma2 semaphore(%run_scoped3A_484 : memref<!tpu.dma_semaphore, #tpu.memory_space<semaphore_mem>>) src(%dma_wait3A_500 : memref<16xf32, #tpu.memory_space<vmem>>) dst(%dma_wait3A_497 : memref<16xf32, #tpu.memory_space<hbm>>)
      tpu.yield
    }) : () -> ()
    return
  }
}

</mosaic_0001>

<sc_bundles>
// kernel: kernel.3.cloned.1.call-start
scs
__scs_entry_jumppad:
0x0: {  	(pc) =	sbr.rel $0x88, $3  }
0x1: {  	(tag) =	ssettag $0x0;
	lr =	simm.s32 $0x1  }
0x2: {  	[smem:$0x3FA0] =	sst lr;
	_ =	strace $0xD0000000  }
0x3: {  	_ = 	snop  }
0x4: {  	_ = 	snop  }
0x5: {  	_ = 	snop  }
0x6: {  	_ = 	snop  }
0x7: {  	_ = 	snop  }
__scs_overlays_trampoline_lowered:
0x8: {  	[smem:$0x3FAF] =	sst s0  }
0x9: {  	[smem:$0x3FB0] =	sst s1  }
0xa: {  	[smem:$0x3FB1] =	sst s2  }
0xb: {  	[smem:$0x3FB2] =	sst s3  }
0xc: {  	[smem:$0x3FB3] =	sst s4  }
0xd: {  	[smem:$0x3FB4] =	sst s5  }
0xe: {  	[smem:$0x3FB5] =	sst s6  }
0xf: {  	[smem:$0x3FB6] =	sst s7  }
0x10: {  	[smem:$0x3FB7] =	sst s8  }
0x11: {  	[smem:$0x3FB8] =	sst s9;
	s0 =	simm.s32 @!p0 $0x0  }
0x12: {  	s1 =	sld [smem:$0x3F9E];
	s0 =	simm.s32 @p0 $0x1  }
0x13: {  	[smem:$0x3FB9] =	sst s0;
	s0 =	simm.s32 @!p1 $0x0  }
0x14: {  	s2 =	sld [smem:$0x3F9D];
	s0 =	simm.s32 @p1 $0x1  }
0x15: {  	[smem:$0x3FBA] =	sst s0;
	s0 =	simm.s32 @!p2 $0x0  }
0x16: {  	s3 =	sld [smem:$0x3FDB];
	s0 =	simm.s32 @p2 $0x1  }
0x17: {  	s4 =	simm.s32 $0x1BF5;
	[smem:$0x3FBC] =	sst s0  }
0x18: {  	s0 =	sld [smem:$0x3F9F];
	_ =	swait.ge [sflag:s4], $0x0  }
0x19: {  	s7 =	sld [smem:$0x3FA0]  }
0x1a: {  	s8 =	sadd.s32 $0xFFFFE003, lr  }
0x1b: {  	s9 =	sadd.s32 $0xFFFFFEF7, lr;
	s5 =	simm.s32 $0xFFFFFFFF;
	p2 =	slt.u32 s8, $0xFFFFF086  }
0x1c: {  	p1 =	slt.u32 s9, $0xF7A;
	s5 =	simm.s32 @!p2 $0x0  }
0x1d: {  	s5 =	simm.s32 @p1 $0x1;
	p0 =	seq.s32 s7, s2  }
0x1e: {  	s7 =	smul.u32 @!p0 $0xF7A, s2;
	p2 =	seq.s32 @!p0 s5, $0x0  }
0x1f: {  	s9 =	smul.u32 $0xF7A, s1;
	s8 =	simm.s32 @!p0 $0x1BF5;
	p2 =	por !p2, p0  }
0x20: {  	[sflag:s8] =	ssyncset.s32 @!p0 $0xFFFFF086;
	s6 =	sadd.s32 @!p0 s3, s7;
	s7 =	simm.s32 @!p0 $0x108  }
0x21: {  	s3 =	sadd.s32 s3, s9;
	s6 =	sadd.s32 @!p0 $0x88, s6;
	s7 =	simm.s32 @p2 $0x1082  }
0x22: {  	[simem:s7], [sflag:s8] =	dma.local @!p0 [hbm:s6], $0xF7A  }
0x23: {  	s9 =	sor.u32 $0xD0000000, s2;
	s6 =	simm.s32 $0x108;
	_ =	swait.ge @!p0 [sflag:s8], $0x0  }
0x24: {  	s3 =	sadd.s32 $0x88, s3;
	s6 =	simm.s32 @!p1 $0x1082;
	[sflag:s4] =	ssyncset.s32 $0xFFFFF086  }
0x25: {  	[simem:s6], [sflag:s4] =	dma.local [hbm:s3], $0xF7A  }
0x26: {  	[smem:$0x3FA0] =	sst s1;
	(tag) =	ssettag s2;
	_ =	strace s9  }
0x27: {  	s1 =	sld [smem:$0x3FB0]  }
0x28: {  	s2 =	sld [smem:$0x3FB1]  }
0x29: {  	s4 =	sld [smem:$0x3FB3]  }
0x2a: {  	p0 =	seq.s32 s5, $0x0;
	s5 =	sld [smem:$0x3FB4]  }
0x2b: {  	s6 =	sld [smem:$0x3FB5]  }
0x2c: {  	s7 =	sld [smem:$0x3FB6]  }
0x2d: {  	s3 =	simm.s32 $0x108;
	s8 =	sld [smem:$0x3FB7]  }
0x2e: {  	s3 =	simm.s32 @!p0 $0x1082;
	s9 =	sld [smem:$0x3FB8]  }
0x2f: {  	lr =	sadd.s32 s0, s3;
	s0 =	sld [smem:$0x3FAF]  }
0x30: {  	s3 =	sld [smem:$0x3FB2]  }
0x31: {  	[smem:$0x3FBB] =	sst s10  }
0x32: {  	s10 =	sld [smem:$0x3FB9];
	_ =	sdelay $0x3  }
0x33: {  	p0 =	seq.s32 s10, $0x1;
	s10 =	sld [smem:$0x3FBB];
	_ =	sdelay $0x3  }
0x34: {  	[smem:$0x3FBB] =	sst s10  }
0x35: {  	s10 =	sld [smem:$0x3FBA];
	_ =	sdelay $0x3  }
0x36: {  	p1 =	seq.s32 s10, $0x1;
	s10 =	sld [smem:$0x3FBB];
	_ =	sdelay $0x3  }
0x37: {  	[smem:$0x3FBB] =	sst s10  }
0x38: {  	s10 =	sld [smem:$0x3FBC]  }
0x39: {  	_ = 	snop;
	(pc) =	sbr.ind lr, $3  }
0x3a: {  	_ = 	snop  }
0x3b: {  	_ = 	snop  }
0x3c: {  	p2 =	seq.s32 s10, $0x1;
	s10 =	sld [smem:$0x3FBB]  }
0x3d: {  	_ =	shalt  }
0x3e: {  	_ =	shalt  }
0x3f: {  	_ =	shalt  }
0x40: {  	_ =	shalt  }
0x41: {  	_ =	shalt  }
0x42: {  	_ =	shalt  }
0x43: {  	_ =	shalt  }
0x44: {  	_ =	shalt  }
0x45: {  	_ =	shalt  }
0x46: {  	_ =	shalt  }
0x47: {  	_ =	shalt  }
0x48: {  	_ =	shalt  }
0x49: {  	_ =	shalt  }
0x4a: {  	_ =	shalt  }
0x4b: {  	_ =	shalt  }
0x4c: {  	_ =	shalt  }
0x4d: {  	_ =	shalt  }
0x4e: {  	_ =	shalt  }
0x4f: {  	_ =	shalt  }
0x50: {  	_ =	shalt  }
0x51: {  	_ =	shalt  }
0x52: {  	_ =	shalt  }
0x53: {  	_ =	shalt  }
0x54: {  	_ =	shalt  }
0x55: {  	_ =	shalt  }
0x56: {  	_ =	shalt  }
0x57: {  	_ =	shalt  }
0x58: {  	_ =	shalt  }
0x59: {  	_ =	shalt  }
0x5a: {  	_ =	shalt  }
0x5b: {  	_ =	shalt  }
0x5c: {  	_ =	shalt  }
0x5d: {  	_ =	shalt  }
0x5e: {  	_ =	shalt  }
0x5f: {  	_ =	shalt  }
0x60: {  	_ =	shalt  }
0x61: {  	_ =	shalt  }
0x62: {  	_ =	shalt  }
0x63: {  	_ =	shalt  }
0x64: {  	_ =	shalt  }
0x65: {  	_ =	shalt  }
0x66: {  	_ =	shalt  }
0x67: {  	_ =	shalt  }
0x68: {  	_ =	shalt  }
0x69: {  	_ =	shalt  }
0x6a: {  	_ =	shalt  }
0x6b: {  	_ =	shalt  }
0x6c: {  	_ =	shalt  }
0x6d: {  	_ =	shalt  }
0x6e: {  	_ =	shalt  }
0x6f: {  	_ =	shalt  }
0x70: {  	_ =	shalt  }
0x71: {  	_ =	shalt  }
0x72: {  	_ =	shalt  }
0x73: {  	_ =	shalt  }
0x74: {  	_ =	shalt  }
0x75: {  	_ =	shalt  }
0x76: {  	_ =	shalt  }
0x77: {  	_ =	shalt  }
0x78: {  	_ =	shalt  }
0x79: {  	_ =	shalt  }
0x7a: {  	_ =	shalt  }
0x7b: {  	_ =	shalt  }
0x7c: {  	_ =	shalt  }
0x7d: {  	_ =	shalt  }
0x7e: {  	_ =	shalt  }
0x7f: {  	_ =	shalt  }
0x80: {  	_ =	shalt  }
0x81: {  	_ =	shalt  }
0x82: {  	_ =	shalt  }
0x83: {  	_ =	shalt  }
0x84: {  	_ =	shalt  }
0x85: {  	_ =	shalt  }
0x86: {  	_ =	shalt  }
0x87: {  	_ =	shalt  }
.Lfunc_end0:
.L_simem_size_0:
called_computation_lowered:
.L_overlay_start_0:
0x88: {  	s2 =	sld [smem:$0x3FD9]  }
0x89: {  	s3 =	sld [smem:$0x3FFE];
	_ =	sdelay $0x1  }
0x8a: {  	s1 =	srdreg.scid  }
0x8b: {  	s0 =	sand.u32 $0x1, s1  }
0x8c: {  	s16 =	sshll.u32 s0, $0xA;
	s2 =	sadd.s32 s3, s2  }
0x8d: {  	s2 =	sadd.s32 s2, s16  }
0x8e: {  	[smem:$0x3FC7] =	sst s2  }
0x8f: {  	_ = 	snop  }
0x90: {  	(tm) =	ssettm $0x1  }
0x91: {  	s17 =	sld [smem:$0x3FFB];
	_ =	sdelay $0x3  }
0x92: {  	_ =	strace s17  }
0x93: {  	s2 =	sld [smem:$0x3FFC];
	_ =	sdelay $0x3  }
0x94: {  	_ =	strace s2  }
0x95: {  	s2 =	sld [smem:$0x3FFD];
	_ =	sdelay $0x3  }
0x96: {  	_ =	strace s2  }
0x97: {  	_ =	strace $0x8FFFFFFF  }
0x98: {  	s18 =	sld [smem:$0x3FDB];
	_ =	sdelay $0x1  }
0x99: {  	s19 =	simm.s32 $_scs_section_size  }
0x9a: {  	s4 =	simm.s32 $_size__tile_overlayer_lowered;
	s5 =	simm.s32 $_tile_overlayer_lowered  }
0x9b: {  	s22 =	simm.s32 $0x1BFF;
	s21 =	sshll.u32 s5, $0x1;
	s2 =	sadd.s32 s19, s18  }
0x9c: {  	s6 =	simm.s32 $0x0;
	s20 =	sshll.u32 s4, $0x1;
	s4 =	sadd.s32 s21, s2  }
0x9d: {  	[timem:s6], [sflag:s22] =	dma.local [hbm:s4], s20  }
0x9e: {  	_ =	swait.ge [sflag:s22], s20  }
0x9f: {  	s3 =	ssub.s32 $0x0, s20;
	[sflag:s22] =	ssyncset.done $0x0  }
0xa0: {  	[sflag:s22] =	ssyncadd.s32 s3;
	_ =	sdelay $0x1  }
0xa1: {  	s23 =	simm.s32 $0x1B8B  }
0xa2: {  	_ =	swait.ge [sflag:s23], $0x1  }
0xa3: {  	[sflag:s23] =	ssyncset.done $0x0  }
0xa4: {  	s25 =	simm.s32 $0x1B8E;
	s24 =	sld [smem:$0x3FFE];
	[sflag:s23] =	ssyncadd.s32 $0xFFFFFFFF  }
0xa5: {  	s26 =	simm.s32 $execute0_lowered;
	[smem:$0x3FD2] =	sst s25  }
0xa6: {  	s4 =	sshll.u32 s26, $0x1;
	_ =	strace $0x80000046;
	[dreg:$0x1] =	wrdreg $0xFFFFFFFF  }
0xa7: {  	s28 =	simm.s32 $_size_execute0_lowered;
	s2 =	sadd.s32 s2, s4;
	[dreg:$0x0] =	wrdreg $0x0  }
0xa8: {  	s4 =	sshll.u32 s28, $0x1;
	[dreg:$0x2] =	wrdreg s2  }
0xa9: {  	[dreg:$0x3] =	wrdreg s4  }
0xaa: {  	[dreg:$0x4] =	wrdreg $0xC0  }
0xab: {  	_ =	task [dreg:s6], $0x5FFFF  }
0xac: {  	[dreg:$0x1] =	wrdreg $0xFFFFFFFF  }
0xad: {  	[dreg:$0x0] =	wrdreg $0x60  }
0xae: {  	[dreg:$0x2] =	wrdreg s24  }
0xaf: {  	[dreg:$0x3] =	wrdreg $0x9  }
0xb0: {  	_ =	task.clear_ibuf [dreg:s6], $0x4FFFF;
	_ =	strace $0x90000046  }
0xb1: {  	s29 =	simm.s32 $0x9;
	_ =	strace $0x80000048  }
0xb2: {  	_ =	swait.ge [sflag:s29], $0x1  }
0xb3: {  	[sflag:s29] =	ssyncadd.s32 $0xFFFFFFFF  }
0xb4: {  	_ =	strace $0x90000048  }
0xb5: {  	_ =	sfence  }
0xb6: {  	s30 =	sld [smem:$0x0];
	_ =	sdelay $0x2  }
0xb7: {  	s31 =	sshll.u32 s1, $0xD;
	s1 =	sshrl.u32 s1, $0x2  }
0xb8: {  	s3 =	sand.u32 $0x4000, s31;
	s1 =	sadd.s32 s1, s30  }
0xb9: {  	s0 =	sor.u32 s3, s0;
	s1 =	sshll.u32 s1, $0x11  }
0xba: {  	s0 =	sor.u32 s1, s0  }
0xbb: {  	s0 =	sadd.s32 $0x8F2B, s0  }
0xbc: {  	[sflag:s0] =	ssyncadd.remote.s32 $0x1  }
0xbd: {  	_ =	sfence.sel $0xFFFF  }
0xbe: {  	[dreg:$0x0] =	wrdreg $0xFFFFFFFF;
	(pc) =	sbr.abs _section_cstart, $3  }
0xbf: {  	[dreg:$0x1] =	wrdreg $0xFFFFFFFF  }
0xc0: {  	_ =	task.clear_ibuf [dreg:s6], $0x2FFFF;
	_ =	strace $0x9FFFFFFF  }
0xc1: {  	(tm) =	ssettm $0x7FFFFFFF  }
tec
execute0_lowered:
.L_overlay_start_1:
0x0: {  	(tag) =	ssettag $0x1  }
0x1: {  	s1 =	srdreg.scid;
	s0 =	stileid.u32  }
0x2: {  	s23 =	sand.u32 $0x1, s1;
	s30 =	sshll.u32 s0, $0x1  }
0x3: {  	s24 =	sor.u32 s23, s30  }
0x4: {  	s22 =	rddreg [dreg:$0x0];
	s2 =	simm.s32 $0x0;
	s3 =	sshll.u32 s24, $0x10  }
0x5: {  	[smem:$0x7FF] =	sst s2;
	s21 =	sadd.s32 s3, s22  }
0x6: {  	s1 =	rddreg [dreg:$0x1];
	_ =	strace $0x80000047;
	s3 =	sadd.s32 $0x400, s21  }
0x7: {  	[tilespmem:s2], [sflag:$0x1] =	stream.linear.gather [hbm4b:s3+s2], $0x8000, $0x38;
	[tilespmem:$0x10000] =	vst v63  }
0x8: {  	s5 =	simm.s32 $0x8000;
	s6 =	simm.s32 $0x1;
	s4 =	sadd.s32 $0x1400, s21  }
0x9: {  	[tilespmem:s5], [sflag:$0x2] =	stream.linear.gather [hbm4b:s4+s2], $0x8000, $0x38;
	[tilespmem:$0x10000] =	vst v63  }
0xa: {  	_ =	swait.ge [sflag:s6], $0x8000  }
0xb: {  	[sflag:s6] =	ssyncset.done $0x0  }
0xc: {  	s8 =	simm.s32 $0x2;
	s7 =	sadd.s32 $0x2400, s21;
	[sflag:s6] =	ssyncadd.s32 $0xFFFF8000  }
0xd: {  	[tilespmem:s2], [sflag:$0x1] =	stream.linear.gather [hbm4b:s7+s2], $0x8000, $0x38;
	[tilespmem:$0x10000] =	vst v63  }
0xe: {  	_ =	swait.ge [sflag:s8], $0x8000  }
0xf: {  	[sflag:s8] =	ssyncset.done $0x0  }
0x10: {  	s9 =	sadd.s32 $0x3400, s21;
	[sflag:s8] =	ssyncadd.s32 $0xFFFF8000  }
0x11: {  	[tilespmem:s5], [sflag:$0x2] =	stream.linear.gather [hbm4b:s9+s2], $0x8000, $0x38;
	[tilespmem:$0x10000] =	vst v63  }
0x12: {  	_ =	swait.ge [sflag:s6], $0x8000  }
0x13: {  	[sflag:s6] =	ssyncset.done $0x0  }
0x14: {  	s10 =	sadd.s32 $0x4400, s21;
	[sflag:s6] =	ssyncadd.s32 $0xFFFF8000  }
0x15: {  	[tilespmem:s2], [sflag:$0x1] =	stream.linear.gather [hbm4b:s10+s2], $0x8000, $0x38;
	[tilespmem:$0x10000] =	vst v63  }
0x16: {  	_ =	swait.ge [sflag:s8], $0x8000  }
0x17: {  	[sflag:s8] =	ssyncset.done $0x0  }
0x18: {  	s11 =	sadd.s32 $0x5400, s21;
	[sflag:s8] =	ssyncadd.s32 $0xFFFF8000  }
0x19: {  	[tilespmem:s5], [sflag:$0x2] =	stream.linear.gather [hbm4b:s11+s2], $0x8000, $0x38;
	[tilespmem:$0x10000] =	vst v63  }
0x1a: {  	_ =	swait.ge [sflag:s6], $0x8000  }
0x1b: {  	[sflag:s6] =	ssyncset.done $0x0  }
0x1c: {  	s12 =	sadd.s32 $0x6400, s21;
	[sflag:s6] =	ssyncadd.s32 $0xFFFF8000  }
0x1d: {  	[tilespmem:s2], [sflag:$0x1] =	stream.linear.gather [hbm4b:s12+s2], $0x8000, $0x38;
	[tilespmem:$0x10000] =	vst v63  }
0x1e: {  	_ =	swait.ge [sflag:s8], $0x8000  }
0x1f: {  	[sflag:s8] =	ssyncset.done $0x0  }
0x20: {  	s13 =	sadd.s32 $0x7400, s21;
	[sflag:s8] =	ssyncadd.s32 $0xFFFF8000  }
0x21: {  	[tilespmem:s5], [sflag:$0x2] =	stream.linear.gather [hbm4b:s13+s2], $0x8000, $0x38;
	[tilespmem:$0x10000] =	vst v63  }
0x22: {  	_ =	swait.ge [sflag:s6], $0x8000  }
0x23: {  	[sflag:s6] =	ssyncset.done $0x0  }
0x24: {  	s14 =	sadd.s32 $0x8400, s21;
	[sflag:s6] =	ssyncadd.s32 $0xFFFF8000  }
0x25: {  	[tilespmem:s2], [sflag:$0x1] =	stream.linear.gather [hbm4b:s14+s2], $0x8000, $0x38;
	[tilespmem:$0x10000] =	vst v63  }
0x26: {  	_ =	swait.ge [sflag:s8], $0x8000  }
0x27: {  	[sflag:s8] =	ssyncset.done $0x0  }
0x28: {  	s15 =	sadd.s32 $0x9400, s21;
	[sflag:s8] =	ssyncadd.s32 $0xFFFF8000  }
0x29: {  	[tilespmem:s5], [sflag:$0x2] =	stream.linear.gather [hbm4b:s15+s2], $0x8000, $0x38;
	[tilespmem:$0x10000] =	vst v63  }
0x2a: {  	_ =	swait.ge [sflag:s6], $0x8000  }
0x2b: {  	[sflag:s6] =	ssyncset.done $0x0  }
0x2c: {  	s16 =	sadd.s32 $0xA400, s21;
	[sflag:s6] =	ssyncadd.s32 $0xFFFF8000  }
0x2d: {  	[tilespmem:s2], [sflag:$0x1] =	stream.linear.gather [hbm4b:s16+s2], $0x8000, $0x38;
	[tilespmem:$0x10000] =	vst v63  }
0x2e: {  	_ =	swait.ge [sflag:s8], $0x8000  }
0x2f: {  	[sflag:s8] =	ssyncset.done $0x0  }
0x30: {  	s17 =	sadd.s32 $0xB400, s21;
	[sflag:s8] =	ssyncadd.s32 $0xFFFF8000  }
0x31: {  	[tilespmem:s5], [sflag:$0x2] =	stream.linear.gather [hbm4b:s17+s2], $0x8000, $0x38;
	[tilespmem:$0x10000] =	vst v63  }
0x32: {  	_ =	swait.ge [sflag:s6], $0x8000  }
0x33: {  	[sflag:s6] =	ssyncset.done $0x0  }
0x34: {  	s18 =	sadd.s32 $0xC400, s21;
	[sflag:s6] =	ssyncadd.s32 $0xFFFF8000  }
0x35: {  	[tilespmem:s2], [sflag:$0x1] =	stream.linear.gather [hbm4b:s18+s2], $0x8000, $0x38;
	[tilespmem:$0x10000] =	vst v63  }
0x36: {  	_ =	swait.ge [sflag:s8], $0x8000  }
0x37: {  	[sflag:s8] =	ssyncset.done $0x0  }
0x38: {  	s19 =	sadd.s32 $0xD400, s21;
	[sflag:s8] =	ssyncadd.s32 $0xFFFF8000  }
0x39: {  	[tilespmem:s5], [sflag:$0x2] =	stream.linear.gather [hbm4b:s19+s2], $0x8000, $0x38;
	[tilespmem:$0x10000] =	vst v63  }
0x3a: {  	_ =	swait.ge [sflag:s6], $0x8000  }
0x3b: {  	[sflag:s6] =	ssyncset.done $0x0  }
0x3c: {  	s20 =	sadd.s32 $0xE400, s21;
	[sflag:s6] =	ssyncadd.s32 $0xFFFF8000  }
0x3d: {  	[tilespmem:s2], [sflag:$0x1] =	stream.linear.gather [hbm4b:s20+s2], $0x8000, $0x38;
	[tilespmem:$0x10000] =	vst v63  }
0x3e: {  	_ =	swait.ge [sflag:s8], $0x8000  }
0x3f: {  	[sflag:s8] =	ssyncset.done $0x0  }
0x40: {  	s23 =	ssub.s32 $0x2, s23;
	s21 =	sadd.s32 $0xF400, s21;
	[sflag:s8] =	ssyncadd.s32 $0xFFFF8000  }
0x41: {  	[tilespmem:s5], [sflag:$0x2] =	stream.linear.gather [hbm4b:s21+s2], $0x8000, $0x38;
	[tilespmem:$0x10000] =	vst v63  }
0x42: {  	s31 =	sshrl.u32 s23, $0x1;
	_ =	swait.ge [sflag:s6], $0x8000  }
0x43: {  	s24 =	sshll.u32 s24, $0x1;
	s23 =	ssub.s32 s23, s31;
	[sflag:s6] =	ssyncset.done $0x0  }
0x44: {  	s22 =	sadd.s32 s24, s22;
	s24 =	smax.u32 s23, $0x1;
	[sflag:s6] =	ssyncadd.s32 $0xFFFF8000  }
0x45: {  	p0 =	sne.s32 s24, $0x1;
	_ =	swait.ge [sflag:s8], $0x8000  }
.Ltmp0:
0x46: {  	[sflag:s8] =	ssyncset.done $0x0;
	(pc) =	sbr.rel @!p0 .LBB2_2-.Ltmp0, $4  }
0x47: {  	s22 =	sadd.s32 $0x200400, s22;
	s23 =	simm.s32 $0x3;
	[sflag:s8] =	ssyncadd.s32 $0xFFFF8000  }
0x48: {  	[hbm4b:s22+s2] =	stream.linear.scatter [tilespmem:s2], [sflag:$0x3], $0x10, $0x38;
	[tilespmem:$0x10000] =	vst v63  }
0x49: {  	_ =	swait.ge [sflag:s23], $0x10  }
0x4a: {  	s24 =	sadd.s32 $0xFFFFFFFF, s24;
	[sflag:s23] =	ssyncset.done $0x0  }
.LBB2_1:
0x4b: {  	p0 =	sne.s32 s24, $0x1;
	s24 =	sadd.s32 $0xFFFFFFFF, s24;
	[sflag:s23] =	ssyncadd.s32 $0xFFFFFFF0  }
0x4c: {  	[tilespmem:s2], [sflag:$0x1] =	stream.linear.gather [hbm4b:s3+s2], $0x8000, $0x38;
	[tilespmem:$0x10000] =	vst v63  }
0x4d: {  	_ = 	snop  }
0x4e: {  	[tilespmem:s5], [sflag:$0x2] =	stream.linear.gather [hbm4b:s4+s2], $0x8000, $0x38;
	[tilespmem:$0x10000] =	vst v63  }
0x4f: {  	_ =	swait.ge [sflag:s6], $0x8000  }
0x50: {  	[sflag:s6] =	ssyncset.done $0x0  }
0x51: {  	[sflag:s6] =	ssyncadd.s32 $0xFFFF8000  }
0x52: {  	[tilespmem:s2], [sflag:$0x1] =	stream.linear.gather [hbm4b:s7+s2], $0x8000, $0x38;
	[tilespmem:$0x10000] =	vst v63  }
0x53: {  	_ =	swait.ge [sflag:s8], $0x8000  }
0x54: {  	[sflag:s8] =	ssyncset.done $0x0  }
0x55: {  	[sflag:s8] =	ssyncadd.s32 $0xFFFF8000  }
0x56: {  	[tilespmem:s5], [sflag:$0x2] =	stream.linear.gather [hbm4b:s9+s2], $0x8000, $0x38;
	[tilespmem:$0x10000] =	vst v63  }
0x57: {  	_ =	swait.ge [sflag:s6], $0x8000  }
0x58: {  	[sflag:s6] =	ssyncset.done $0x0  }
0x59: {  	[sflag:s6] =	ssyncadd.s32 $0xFFFF8000  }
0x5a: {  	[tilespmem:s2], [sflag:$0x1] =	stream.linear.gather [hbm4b:s10+s2], $0x8000, $0x38;
	[tilespmem:$0x10000] =	vst v63  }
0x5b: {  	_ =	swait.ge [sflag:s8], $0x8000  }
0x5c: {  	[sflag:s8] =	ssyncset.done $0x0  }
0x5d: {  	[sflag:s8] =	ssyncadd.s32 $0xFFFF8000  }
0x5e: {  	[tilespmem:s5], [sflag:$0x2] =	stream.linear.gather [hbm4b:s11+s2], $0x8000, $0x38;
	[tilespmem:$0x10000] =	vst v63  }
0x5f: {  	_ =	swait.ge [sflag:s6], $0x8000  }
0x60: {  	[sflag:s6] =	ssyncset.done $0x0  }
0x61: {  	[sflag:s6] =	ssyncadd.s32 $0xFFFF8000  }
0x62: {  	[tilespmem:s2], [sflag:$0x1] =	stream.linear.gather [hbm4b:s12+s2], $0x8000, $0x38;
	[tilespmem:$0x10000] =	vst v63  }
0x63: {  	_ =	swait.ge [sflag:s8], $0x8000  }
0x64: {  	[sflag:s8] =	ssyncset.done $0x0  }
0x65: {  	[sflag:s8] =	ssyncadd.s32 $0xFFFF8000  }
0x66: {  	[tilespmem:s5], [sflag:$0x2] =	stream.linear.gather [hbm4b:s13+s2], $0x8000, $0x38;
	[tilespmem:$0x10000] =	vst v63  }
0x67: {  	_ =	swait.ge [sflag:s6], $0x8000  }
0x68: {  	[sflag:s6] =	ssyncset.done $0x0  }
0x69: {  	[sflag:s6] =	ssyncadd.s32 $0xFFFF8000  }
0x6a: {  	[tilespmem:s2], [sflag:$0x1] =	stream.linear.gather [hbm4b:s14+s2], $0x8000, $0x38;
	[tilespmem:$0x10000] =	vst v63  }
0x6b: {  	_ =	swait.ge [sflag:s8], $0x8000  }
0x6c: {  	[sflag:s8] =	ssyncset.done $0x0  }
0x6d: {  	[sflag:s8] =	ssyncadd.s32 $0xFFFF8000  }
0x6e: {  	[tilespmem:s5], [sflag:$0x2] =	stream.linear.gather [hbm4b:s15+s2], $0x8000, $0x38;
	[tilespmem:$0x10000] =	vst v63  }
0x6f: {  	_ =	swait.ge [sflag:s6], $0x8000  }
0x70: {  	[sflag:s6] =	ssyncset.done $0x0  }
0x71: {  	[sflag:s6] =	ssyncadd.s32 $0xFFFF8000  }
0x72: {  	[tilespmem:s2], [sflag:$0x1] =	stream.linear.gather [hbm4b:s16+s2], $0x8000, $0x38;
	[tilespmem:$0x10000] =	vst v63  }
0x73: {  	_ =	swait.ge [sflag:s8], $0x8000  }
0x74: {  	[sflag:s8] =	ssyncset.done $0x0  }
0x75: {  	[sflag:s8] =	ssyncadd.s32 $0xFFFF8000  }
0x76: {  	[tilespmem:s5], [sflag:$0x2] =	stream.linear.gather [hbm4b:s17+s2], $0x8000, $0x38;
	[tilespmem:$0x10000] =	vst v63  }
0x77: {  	_ =	swait.ge [sflag:s6], $0x8000  }
0x78: {  	[sflag:s6] =	ssyncset.done $0x0  }
0x79: {  	[sflag:s6] =	ssyncadd.s32 $0xFFFF8000  }
0x7a: {  	[tilespmem:s2], [sflag:$0x1] =	stream.linear.gather [hbm4b:s18+s2], $0x8000, $0x38;
	[tilespmem:$0x10000] =	vst v63  }
0x7b: {  	_ =	swait.ge [sflag:s8], $0x8000  }
0x7c: {  	[sflag:s8] =	ssyncset.done $0x0  }
0x7d: {  	[sflag:s8] =	ssyncadd.s32 $0xFFFF8000  }
0x7e: {  	[tilespmem:s5], [sflag:$0x2] =	stream.linear.gather [hbm4b:s19+s2], $0x8000, $0x38;
	[tilespmem:$0x10000] =	vst v63  }
0x7f: {  	_ =	swait.ge [sflag:s6], $0x8000  }
0x80: {  	[sflag:s6] =	ssyncset.done $0x0  }
0x81: {  	[sflag:s6] =	ssyncadd.s32 $0xFFFF8000  }
0x82: {  	[tilespmem:s2], [sflag:$0x1] =	stream.linear.gather [hbm4b:s20+s2], $0x8000, $0x38;
	[tilespmem:$0x10000] =	vst v63  }
0x83: {  	_ =	swait.ge [sflag:s8], $0x8000  }
0x84: {  	[sflag:s8] =	ssyncset.done $0x0  }
0x85: {  	[sflag:s8] =	ssyncadd.s32 $0xFFFF8000  }
0x86: {  	[tilespmem:s5], [sflag:$0x2] =	stream.linear.gather [hbm4b:s21+s2], $0x8000, $0x38;
	[tilespmem:$0x10000] =	vst v63  }
0x87: {  	_ =	swait.ge [sflag:s6], $0x8000  }
0x88: {  	[sflag:s6] =	ssyncset.done $0x0  }
0x89: {  	[sflag:s6] =	ssyncadd.s32 $0xFFFF8000  }
0x8a: {  	_ =	swait.ge [sflag:s8], $0x8000  }
.Ltmp1:
0x8b: {  	[sflag:s8] =	ssyncset.done $0x0;
	(pc) =	sbr.rel @p0 .LBB2_1-.Ltmp1, $4  }
0x8c: {  	[sflag:s8] =	ssyncadd.s32 $0xFFFF8000  }
0x8d: {  	[hbm4b:s22+s2] =	stream.linear.scatter [tilespmem:s2], [sflag:$0x3], $0x10, $0x38;
	[tilespmem:$0x10000] =	vst v63  }
0x8e: {  	_ =	swait.ge [sflag:s23], $0x10  }
0x8f: {  	[sflag:s23] =	ssyncset.done $0x0  }
.LBB2_2:
0x90: {  	[sflag:s23] =	ssyncadd.s32 $0xFFFFFFF0  }
0x91: {  	_ =	sfence.sel $0x180000  }
0x92: {  	[bflag:$0x0] =	sbarrier.arrive $0xFFFF  }
0x93: {  	p0 =	sne.s32 s0, $0x0;
	_ =	strace $0x90000047  }
0x94: {  	s0 =	sadd.s32 @!p0 $0x100000, s1;
	[bflag:$0x2] =	sbarrier.arrive $0xFFFF  }
0x95: {  	[sflag:s0] =	ssyncadd.tile.s32 @!p0 $0x1;
	_ =	shalt  }
.Lfunc_end2:
_tile_overlayer_lowered:
.L_overlay_start_2:
0x96: {  	(tag) =	ssettag $0x2  }
0x97: {  	s0 =	rddreg [dreg:$0x0];
	s2 =	stileid.u32  }
0x98: {  	s1 =	rddreg [dreg:$0x1];
	p0 =	sne.s32 s2, $0x0  }
0x99: {  	s3 =	rddreg [dreg:$0x2];
	[bflag:$0x3] =	sbarrier.arrive $0xFFFF;
	s2 =	simm.s32 @!p0 $0x1C03  }
0x9a: {  	[timem:s3], [sflag:s2] =	dma.local @!p0 [hbm:s0], s1  }
0x9b: {  	s0 =	simm.s32 @!p0 $0x3  }
0x9c: {  	_ =	swait.ge @!p0 [sflag:s0], s1  }
0x9d: {  	s1 =	ssub.s32 @!p0 $0x0, s1;
	[sflag:s0] =	ssyncset.done @!p0 $0x0  }
0x9e: {  	[sflag:s0] =	ssyncadd.s32 @!p0 s1  }
0x9f: {  	[bflag:$0x3] =	sbarrier.arrive $0xFFFF  }
0xa0: {  	_ =	shalt  }

</sc_bundles>
